<compile_context>
chip_gen: v7x
topology: tpu7x:2x2x1
jax: 0.10.2.dev20260603
libtpu: 0.0.44.dev20260713+nightly
codegen_flags: <defaults>
</compile_context>

<pallas_src>
import functools

import jax
import jax.numpy as jnp
from jax import lax
from jax.experimental import pallas as pl
from jax.experimental.pallas import tpu as pltpu
from jax.experimental.pallas import tpu_sc as plsc

N = 10000
E = 320000
D = 128
H = 128
L = 3
G = 128

NC = 2
NS = 16
NW = NC * NS

K = 128
NCHUNK0 = 104
NCHUNK1 = 53
NCHUNK_MAX = NCHUNK0
E_CAP = NS * (NCHUNK0 + NCHUNK1) * K
N_ACC = 10112
ACC_ROWS_PER_TILE = N_ACC // NS


def _sc_scatter_body(h_hbm, src_hbm, dst_hbm, zeros_hbm, out_hbm,
                     acc, src_v, dst_v, rows0_v, sem0):
    c = lax.axis_index("c")
    s = lax.axis_index("s")
    wid = c * NS + s

    pltpu.sync_copy(zeros_hbm.at[pl.ds(s * ACC_ROWS_PER_TILE, ACC_ROWS_PER_TILE)],
                    acc.at[pl.ds(s * ACC_ROWS_PER_TILE, ACC_ROWS_PER_TILE)])
    plsc.subcore_barrier()

    pltpu.sync_copy(src_hbm.at[wid], src_v)
    pltpu.sync_copy(dst_hbm.at[wid], dst_v)

    def chunk_body(j, carry):
        pltpu.async_copy(h_hbm.at[src_v.at[j]], rows0_v, sem0).wait()
        pltpu.sync_copy(rows0_v, acc.at[dst_v.at[j]], add=True)
        return carry

    nch = jnp.where(c == 0, NCHUNK0, NCHUNK1)
    lax.fori_loop(0, nch, chunk_body, 0, unroll=False)
    plsc.subcore_barrier()

    pltpu.sync_copy(acc.at[pl.ds(s * ACC_ROWS_PER_TILE, ACC_ROWS_PER_TILE)],
                    out_hbm.at[c, pl.ds(s * ACC_ROWS_PER_TILE, ACC_ROWS_PER_TILE)])


_sc_scatter = pl.kernel(
    _sc_scatter_body,
    out_type=jax.ShapeDtypeStruct((NC, N_ACC, H), jnp.float32),
    mesh=plsc.VectorSubcoreMesh(core_axis_name="c", subcore_axis_name="s"),
    scratch_types=[
        pltpu.VMEM_SHARED((N_ACC, H), jnp.float32),
        pltpu.VMEM((NCHUNK_MAX, K), jnp.int32),
        pltpu.VMEM((NCHUNK_MAX, K), jnp.int32),
        pltpu.VMEM((K, H), jnp.float32),
        pltpu.SemaphoreType.DMA,
    ],
)


def _tc_dense_body(p_ref, h_ref, w1_ref, b1_ref, w2_ref, b2_ref,
                   gam_ref, bet_ref, batch_ref, t_ref, pool_ref):
    m = p_ref[0, :N] + p_ref[1, :N] + h_ref[...]
    t1 = jnp.dot(m, w1_ref[...], preferred_element_type=jnp.float32) + b1_ref[...]
    t1 = jnp.maximum(t1, 0.0)
    t2 = jnp.dot(t1, w2_ref[...], preferred_element_type=jnp.float32) + b2_ref[...]
    t2 = jnp.maximum(t2, 0.0)
    mu = jnp.mean(t2, axis=0, keepdims=True)
    var = jnp.mean((t2 - mu) * (t2 - mu), axis=0, keepdims=True)
    tn = (t2 - mu) / jnp.sqrt(var + 1e-5) * gam_ref[...] + bet_ref[...]
    t_ref[...] = tn
    onehot = (batch_ref[...] == lax.broadcasted_iota(jnp.int32, (N, G), 1)
              ).astype(jnp.float32)
    pool_ref[...] = lax.dot_general(onehot, tn, (((0,), (0,)), ((), ())),
                                    preferred_element_type=jnp.float32)


_tc_dense = pl.pallas_call(
    _tc_dense_body,
    out_shape=(
        jax.ShapeDtypeStruct((N, H), jnp.float32),
        jax.ShapeDtypeStruct((G, H), jnp.float32),
    ),
)


def kernel(x, edge_index, batch, num_graphs, W1, b1, W2, b2, gamma, beta):
    src = edge_index[0]
    dst = edge_index[1]

    def layout(idx, fill):
        p = jnp.concatenate([idx, jnp.full((E_CAP - E,), fill, jnp.int32)])
        n0 = NS * NCHUNK0 * K
        c0 = p[:n0].reshape(NS, NCHUNK0, K)
        c1 = p[n0:].reshape(NS, NCHUNK1, K)
        c1 = jnp.pad(c1, ((0, 0), (0, NCHUNK_MAX - NCHUNK1), (0, 0)),
                     constant_values=fill)
        return jnp.concatenate([c0, c1], axis=0)

    src_p = layout(src, 0)
    dst_p = layout(dst, N)
    zeros = jnp.zeros((N_ACC, H), jnp.float32)
    batch2d = batch.reshape(N, 1)

    h = x
    pools = []
    for i in range(L):
        partials = _sc_scatter(h, src_p, dst_p, zeros)
        t, pool = _tc_dense(partials, h, W1[i], b1[i].reshape(1, H),
                            W2[i], b2[i].reshape(1, H),
                            gamma[i].reshape(1, H), beta[i].reshape(1, H),
                            batch2d)
        pools.append(pool)
        h = t
    return jnp.concatenate(pools, axis=1)

# --- scband reference (transcript-rebuilt; emitter-appended) ---
"""Pipeline reference for scband-spgcl-91070486545216 (READ-ONLY COPY).

The authoritative reference and input builder live on the scoring server;
editing this copy changes nothing except your own understanding.
"""

import jax, jax.numpy as jnp
import numpy as np

N = 10000
E = 320000
D = 128
H = 128
L = 3
G = 128


def setup_inputs(seed: int = 0) -> dict:
    key = jax.random.key(seed)
    ks = jax.random.split(key, 10)
    x = jax.random.normal(ks[0], (N, D), dtype=jnp.float32)
    edge_index = jax.random.randint(ks[1], (2, E), 0, N, dtype=jnp.int32)
    batch = jnp.sort(jax.random.randint(ks[2], (N,), 0, G, dtype=jnp.int32))
    s = 1.0 / np.sqrt(H)
    W1 = jax.random.uniform(ks[3], (L, D, H), jnp.float32, -s, s)
    b1 = jnp.zeros((L, H), jnp.float32)
    W2 = jax.random.uniform(ks[4], (L, H, H), jnp.float32, -s, s)
    b2 = jnp.zeros((L, H), jnp.float32)
    gamma = jnp.ones((L, H), jnp.float32)
    beta = jnp.zeros((L, H), jnp.float32)
    return {"x": x, "edge_index": edge_index, "batch": batch, "num_graphs": G,
            "W1": W1, "b1": b1, "W2": W2, "b2": b2, "gamma": gamma, "beta": beta}


def reference(x, edge_index, batch, num_graphs, W1, b1, W2, b2, gamma, beta):
    # spgcl.forward: y, M = encoder(x, edge_index, batch); prototypes is None (num_prot=0) so return y.
    # Encoder is the standard InfoGraph/GraphCL GIN encoder: per layer
    #   h = BN(relu(GINConv_MLP((1+eps)*h + sum_{j in N(i)} h_j))), eps=0
    # then y = concat_l(global_add_pool(h_l, batch)).
    src = edge_index[0]
    dst = edge_index[1]
    h = x
    xs = []
    for i in range(L):
        agg = jax.ops.segment_sum(h[src], dst, num_segments=h.shape[0])  # scatter-add message passing
        m = agg + h  # (1 + eps) * x with eps = 0
        t = jnp.maximum(m @ W1[i] + b1[i], 0.0)  # GIN MLP: Linear -> ReLU -> Linear
        t = t @ W2[i] + b2[i]
        t = jnp.maximum(t, 0.0)  # F.relu(conv(...))
        mu = jnp.mean(t, axis=0)  # BatchNorm1d (training-mode batch stats)
        var = jnp.var(t, axis=0)
        t = (t - mu) / jnp.sqrt(var + 1e-5) * gamma[i] + beta[i]
        xs.append(t)
        h = t
    pools = [jax.ops.segment_sum(xh, batch, num_segments=G) for xh in xs]  # global_add_pool
    y = jnp.concatenate(pools, axis=1)  # [num_graphs, hidden_dim * num_gc_layers]
    y = y + (jnp.asarray(num_graphs) * 0).astype(y.dtype)
    return y

if __name__ == "__main__":
    import jax
    _d = setup_inputs()
    print(jax.jit(kernel)(*tuple(_d.values())))

</pallas_src>

<mosaic_0001>
#map = affine_map<(d0, d1) -> (0, 0)>
#map1 = affine_map<(d0, d1) -> (0, 0, 0)>
module attributes {stable_mosaic.version = 14 : i64} {
  func.func @_sc_scatter_body(%arg0: i32, %arg1: i32, %arg2: memref<10000x128xf32, #tpu.memory_space<hbm>>, %arg3: memref<32x104x128xi32, #tpu.memory_space<hbm>>, %arg4: memref<32x104x128xi32, #tpu.memory_space<hbm>>, %arg5: memref<10112x128xf32, #tpu.memory_space<hbm>>, %arg6: memref<2x10112x128xf32, #tpu.memory_space<hbm>>, %arg7: memref<10112x128xf32, #tpu.memory_space<vmem_shared>>, %arg8: memref<104x128xi32, #tpu.memory_space<vmem>>, %arg9: memref<104x128xi32, #tpu.memory_space<vmem>>, %arg10: memref<128x128xf32, #tpu.memory_space<vmem>>, %arg11: memref<!tpu.dma_semaphore, #tpu.memory_space<semaphore_mem>>) attributes {dimension_semantics = [#tpu.dimension_semantics<core_parallel>, #tpu.dimension_semantics<subcore_parallel>], iteration_bounds = array<i64: 2, 16>, scalar_prefetch = 0 : i64, scratch_operands = 5 : i64, tpu.core_type = #tpu.core_type<sc_vector_subcore>, window_params = [{transform_indices = #map}, {transform_indices = #map1}, {transform_indices = #map1}, {transform_indices = #map}, {transform_indices = #map1}]} {
    %mul3A = arith.constant 16 : i32
    %mul3A_0 = arith.muli %arg0, %mul3A : i32
    %add3A = arith.addi %mul3A_0, %arg1 : i32
    %mul3A_1 = arith.constant 632 : i32
    %mul3A_2 = arith.muli %arg1, %mul3A_1 : i32
    %mul3A_3 = arith.constant 632 : i32
    %mul3A_4 = arith.muli %arg1, %mul3A_3 : i32
    "tpu.region"() ({
      %run_scoped3A = tpu.sem_alloc : memref<!tpu.dma_semaphore, #tpu.memory_space<semaphore_mem>>
      %dma_start3A = arith.constant 0 : i32
      %dma_start3A_21 = tpu.memref_slice %arg7[%mul3A_4, %dma_start3A] : memref<10112x128xf32, #tpu.memory_space<vmem_shared>> -> memref<632x128xf32, #tpu.memory_space<vmem_shared>>
      %dma_start3A_22 = arith.constant 0 : i32
      %dma_start3A_23 = tpu.memref_slice %arg5[%mul3A_2, %dma_start3A_22] : memref<10112x128xf32, #tpu.memory_space<hbm>> -> memref<632x128xf32, #tpu.memory_space<hbm>>
      tpu.enqueue_dma source(%dma_start3A_23 : memref<632x128xf32, #tpu.memory_space<hbm>>) target(%dma_start3A_21 : memref<632x128xf32, #tpu.memory_space<vmem_shared>>) target_semaphore(%run_scoped3A : memref<!tpu.dma_semaphore, #tpu.memory_space<semaphore_mem>>)
      %dma_wait3A = arith.constant 0 : i32
      %dma_wait3A_24 = tpu.memref_slice %arg7[%mul3A_4, %dma_wait3A] : memref<10112x128xf32, #tpu.memory_space<vmem_shared>> -> memref<632x128xf32, #tpu.memory_space<vmem_shared>>
      %dma_wait3A_25 = arith.constant 0 : i32
      %dma_wait3A_26 = tpu.memref_slice %arg5[%mul3A_2, %dma_wait3A_25] : memref<10112x128xf32, #tpu.memory_space<hbm>> -> memref<632x128xf32, #tpu.memory_space<hbm>>
      tpu.wait_dma2 semaphore(%run_scoped3A : memref<!tpu.dma_semaphore, #tpu.memory_space<semaphore_mem>>) src(%dma_wait3A_26 : memref<632x128xf32, #tpu.memory_space<hbm>>) dst(%dma_wait3A_24 : memref<632x128xf32, #tpu.memory_space<vmem_shared>>)
      tpu.yield
    }) : () -> ()
    %barrier3A = arith.constant 0 : index
    tpu.barrier barrier_id(%barrier3A)
    "tpu.region"() ({
      %run_scoped3A = tpu.sem_alloc : memref<!tpu.dma_semaphore, #tpu.memory_space<semaphore_mem>>
      %dma_start3A = arith.constant 0 : i32
      %dma_start3A_21 = arith.constant 0 : i32
      %dma_start3A_22 = tpu.memref_slice %arg3[%add3A, %dma_start3A, %dma_start3A_21] : memref<32x104x128xi32, #tpu.memory_space<hbm>> -> memref<1x104x128xi32, #tpu.memory_space<hbm>>
      %dma_start3A_23 = tpu.memref_squeeze %dma_start3A_22 : memref<1x104x128xi32, #tpu.memory_space<hbm>> -> memref<104x128xi32, #tpu.memory_space<hbm>>
      %dma_start3A_24 = arith.constant 0 : i32
      %dma_start3A_25 = arith.constant 0 : i32
      %dma_start3A_26 = tpu.memref_slice %arg3[%add3A, %dma_start3A_24, %dma_start3A_25] : memref<32x104x128xi32, #tpu.memory_space<hbm>> -> memref<1x104x128xi32, #tpu.memory_space<hbm>>
      %dma_start3A_27 = tpu.memref_squeeze %dma_start3A_26 : memref<1x104x128xi32, #tpu.memory_space<hbm>> -> memref<104x128xi32, #tpu.memory_space<hbm>>
      tpu.enqueue_dma source(%dma_start3A_27 : memref<104x128xi32, #tpu.memory_space<hbm>>) target(%arg8 : memref<104x128xi32, #tpu.memory_space<vmem>>) target_semaphore(%run_scoped3A : memref<!tpu.dma_semaphore, #tpu.memory_space<semaphore_mem>>)
      %dma_wait3A = arith.constant 0 : i32
      %dma_wait3A_28 = arith.constant 0 : i32
      %dma_wait3A_29 = tpu.memref_slice %arg3[%add3A, %dma_wait3A, %dma_wait3A_28] : memref<32x104x128xi32, #tpu.memory_space<hbm>> -> memref<1x104x128xi32, #tpu.memory_space<hbm>>
      %dma_wait3A_30 = tpu.memref_squeeze %dma_wait3A_29 : memref<1x104x128xi32, #tpu.memory_space<hbm>> -> memref<104x128xi32, #tpu.memory_space<hbm>>
      %dma_wait3A_31 = arith.constant 0 : i32
      %dma_wait3A_32 = arith.constant 0 : i32
      %dma_wait3A_33 = tpu.memref_slice %arg3[%add3A, %dma_wait3A_31, %dma_wait3A_32] : memref<32x104x128xi32, #tpu.memory_space<hbm>> -> memref<1x104x128xi32, #tpu.memory_space<hbm>>
      %dma_wait3A_34 = tpu.memref_squeeze %dma_wait3A_33 : memref<1x104x128xi32, #tpu.memory_space<hbm>> -> memref<104x128xi32, #tpu.memory_space<hbm>>
      tpu.wait_dma2 semaphore(%run_scoped3A : memref<!tpu.dma_semaphore, #tpu.memory_space<semaphore_mem>>) src(%dma_wait3A_34 : memref<104x128xi32, #tpu.memory_space<hbm>>) dst(%arg8 : memref<104x128xi32, #tpu.memory_space<vmem>>)
      tpu.yield
    }) : () -> ()
    "tpu.region"() ({
      %run_scoped3A = tpu.sem_alloc : memref<!tpu.dma_semaphore, #tpu.memory_space<semaphore_mem>>
      %dma_start3A = arith.constant 0 : i32
      %dma_start3A_21 = arith.constant 0 : i32
      %dma_start3A_22 = tpu.memref_slice %arg4[%add3A, %dma_start3A, %dma_start3A_21] : memref<32x104x128xi32, #tpu.memory_space<hbm>> -> memref<1x104x128xi32, #tpu.memory_space<hbm>>
      %dma_start3A_23 = tpu.memref_squeeze %dma_start3A_22 : memref<1x104x128xi32, #tpu.memory_space<hbm>> -> memref<104x128xi32, #tpu.memory_space<hbm>>
      %dma_start3A_24 = arith.constant 0 : i32
      %dma_start3A_25 = arith.constant 0 : i32
      %dma_start3A_26 = tpu.memref_slice %arg4[%add3A, %dma_start3A_24, %dma_start3A_25] : memref<32x104x128xi32, #tpu.memory_space<hbm>> -> memref<1x104x128xi32, #tpu.memory_space<hbm>>
      %dma_start3A_27 = tpu.memref_squeeze %dma_start3A_26 : memref<1x104x128xi32, #tpu.memory_space<hbm>> -> memref<104x128xi32, #tpu.memory_space<hbm>>
      tpu.enqueue_dma source(%dma_start3A_27 : memref<104x128xi32, #tpu.memory_space<hbm>>) target(%arg9 : memref<104x128xi32, #tpu.memory_space<vmem>>) target_semaphore(%run_scoped3A : memref<!tpu.dma_semaphore, #tpu.memory_space<semaphore_mem>>)
      %dma_wait3A = arith.constant 0 : i32
      %dma_wait3A_28 = arith.constant 0 : i32
      %dma_wait3A_29 = tpu.memref_slice %arg4[%add3A, %dma_wait3A, %dma_wait3A_28] : memref<32x104x128xi32, #tpu.memory_space<hbm>> -> memref<1x104x128xi32, #tpu.memory_space<hbm>>
      %dma_wait3A_30 = tpu.memref_squeeze %dma_wait3A_29 : memref<1x104x128xi32, #tpu.memory_space<hbm>> -> memref<104x128xi32, #tpu.memory_space<hbm>>
      %dma_wait3A_31 = arith.constant 0 : i32
      %dma_wait3A_32 = arith.constant 0 : i32
      %dma_wait3A_33 = tpu.memref_slice %arg4[%add3A, %dma_wait3A_31, %dma_wait3A_32] : memref<32x104x128xi32, #tpu.memory_space<hbm>> -> memref<1x104x128xi32, #tpu.memory_space<hbm>>
      %dma_wait3A_34 = tpu.memref_squeeze %dma_wait3A_33 : memref<1x104x128xi32, #tpu.memory_space<hbm>> -> memref<104x128xi32, #tpu.memory_space<hbm>>
      tpu.wait_dma2 semaphore(%run_scoped3A : memref<!tpu.dma_semaphore, #tpu.memory_space<semaphore_mem>>) src(%dma_wait3A_34 : memref<104x128xi32, #tpu.memory_space<hbm>>) dst(%arg9 : memref<104x128xi32, #tpu.memory_space<vmem>>)
      tpu.yield
    }) : () -> ()
    %eq3A = arith.constant 0 : i32
    %eq3A_5 = arith.cmpi eq, %arg0, %eq3A : i32
    %jit3A = arith.constant 104 : i32
    %jit3A_6 = arith.constant 53 : i32
    %select_n3A = arith.select %eq3A_5, %jit3A, %jit3A_6 : i32
    %while3A = arith.constant 0 : i32
    %while3A_7 = arith.constant 0 : i32
    %while3A_8 = arith.subi %select_n3A, %while3A_7 : i32
    %while3A_9 = arith.addi %while3A_7, %while3A_8 : i32
    %while3A_10 = arith.constant 1 : i32
    %while3A_11 = arith.divsi %while3A_8, %while3A_10 : i32
    %while3A_12 = arith.muli %while3A_11, %while3A_10 : i32
    %while3A_13 = arith.addi %while3A_7, %while3A_12 : i32
    %while3A_14 = arith.constant 1 : i32
    scf.for %while3A_21 = %while3A_7 to %while3A_13 step %while3A_14  : i32 {
      %dma_start3A = arith.constant 0 : i32
      %dma_start3A_22 = tpu.memref_slice %arg8[%while3A_21, %dma_start3A] : memref<104x128xi32, #tpu.memory_space<vmem>> -> memref<1x128xi32, #tpu.memory_space<vmem>>
      %dma_start3A_23 = tpu.memref_squeeze %dma_start3A_22 : memref<1x128xi32, #tpu.memory_space<vmem>> -> memref<128xi32, #tpu.memory_space<vmem>>
      %dma_start3A_24 = arith.constant 0 : i32
      %dma_start3A_25 = arith.constant 0 : i32
      %dma_start3A_26 = tpu.memref_slice %arg2[%dma_start3A_24, %dma_start3A_25] : memref<10000x128xf32, #tpu.memory_space<hbm>> -> memref<10000x128xf32, #tpu.memory_space<hbm>>
      tpu.enqueue_indirect_dma source(%dma_start3A_26 : memref<10000x128xf32, #tpu.memory_space<hbm>>) target(%arg10 : memref<128x128xf32, #tpu.memory_space<vmem>>) offsets(%dma_start3A_23 : memref<128xi32, #tpu.memory_space<vmem>>) semaphore(%arg11 : memref<!tpu.dma_semaphore, #tpu.memory_space<semaphore_mem>>)
      %dma_wait3A = arith.constant 0 : i32
      %dma_wait3A_27 = tpu.memref_slice %arg8[%while3A_21, %dma_wait3A] : memref<104x128xi32, #tpu.memory_space<vmem>> -> memref<1x128xi32, #tpu.memory_space<vmem>>
      %dma_wait3A_28 = tpu.memref_squeeze %dma_wait3A_27 : memref<1x128xi32, #tpu.memory_space<vmem>> -> memref<128xi32, #tpu.memory_space<vmem>>
      %dma_wait3A_29 = arith.constant 0 : i32
      %dma_wait3A_30 = arith.constant 0 : i32
      %dma_wait3A_31 = tpu.memref_slice %arg2[%dma_wait3A_29, %dma_wait3A_30] : memref<10000x128xf32, #tpu.memory_space<hbm>> -> memref<10000x128xf32, #tpu.memory_space<hbm>>
      tpu.wait_indirect_dma semaphore(%arg11 : memref<!tpu.dma_semaphore, #tpu.memory_space<semaphore_mem>>) src(%dma_wait3A_31 : memref<10000x128xf32, #tpu.memory_space<hbm>>) dst(%arg10 : memref<128x128xf32, #tpu.memory_space<vmem>>)
      "tpu.region"() ({
        %run_scoped3A = tpu.sem_alloc : memref<!tpu.dma_semaphore, #tpu.memory_space<semaphore_mem>>
        %dma_start3A_32 = arith.constant 0 : i32
        %dma_start3A_33 = tpu.memref_slice %arg9[%while3A_21, %dma_start3A_32] : memref<104x128xi32, #tpu.memory_space<vmem>> -> memref<1x128xi32, #tpu.memory_space<vmem>>
        %dma_start3A_34 = tpu.memref_squeeze %dma_start3A_33 : memref<1x128xi32, #tpu.memory_space<vmem>> -> memref<128xi32, #tpu.memory_space<vmem>>
        %dma_start3A_35 = arith.constant 0 : i32
        %dma_start3A_36 = arith.constant 0 : i32
        %dma_start3A_37 = tpu.memref_slice %arg7[%dma_start3A_35, %dma_start3A_36] : memref<10112x128xf32, #tpu.memory_space<vmem_shared>> -> memref<10112x128xf32, #tpu.memory_space<vmem_shared>>
        tpu.enqueue_indirect_dma source(%arg10 : memref<128x128xf32, #tpu.memory_space<vmem>>) target(%dma_start3A_37 : memref<10112x128xf32, #tpu.memory_space<vmem_shared>>) offsets(%dma_start3A_34 : memref<128xi32, #tpu.memory_space<vmem>>) semaphore(%run_scoped3A : memref<!tpu.dma_semaphore, #tpu.memory_space<semaphore_mem>>) {add = true}
        %dma_wait3A_38 = arith.constant 0 : i32
        %dma_wait3A_39 = tpu.memref_slice %arg9[%while3A_21, %dma_wait3A_38] : memref<104x128xi32, #tpu.memory_space<vmem>> -> memref<1x128xi32, #tpu.memory_space<vmem>>
        %dma_wait3A_40 = tpu.memref_squeeze %dma_wait3A_39 : memref<1x128xi32, #tpu.memory_space<vmem>> -> memref<128xi32, #tpu.memory_space<vmem>>
        %dma_wait3A_41 = arith.constant 0 : i32
        %dma_wait3A_42 = arith.constant 0 : i32
        %dma_wait3A_43 = tpu.memref_slice %arg7[%dma_wait3A_41, %dma_wait3A_42] : memref<10112x128xf32, #tpu.memory_space<vmem_shared>> -> memref<10112x128xf32, #tpu.memory_space<vmem_shared>>
        tpu.wait_indirect_dma semaphore(%run_scoped3A : memref<!tpu.dma_semaphore, #tpu.memory_space<semaphore_mem>>) src(%arg10 : memref<128x128xf32, #tpu.memory_space<vmem>>) dst(%dma_wait3A_43 : memref<10112x128xf32, #tpu.memory_space<vmem_shared>>)
        tpu.yield
      }) : () -> ()
    }
    %while3A_15 = arith.constant 1 : i32
    scf.for %while3A_21 = %while3A_13 to %while3A_9 step %while3A_15  : i32 {
      %dma_start3A = arith.constant 0 : i32
      %dma_start3A_22 = tpu.memref_slice %arg8[%while3A_21, %dma_start3A] : memref<104x128xi32, #tpu.memory_space<vmem>> -> memref<1x128xi32, #tpu.memory_space<vmem>>
      %dma_start3A_23 = tpu.memref_squeeze %dma_start3A_22 : memref<1x128xi32, #tpu.memory_space<vmem>> -> memref<128xi32, #tpu.memory_space<vmem>>
      %dma_start3A_24 = arith.constant 0 : i32
      %dma_start3A_25 = arith.constant 0 : i32
      %dma_start3A_26 = tpu.memref_slice %arg2[%dma_start3A_24, %dma_start3A_25] : memref<10000x128xf32, #tpu.memory_space<hbm>> -> memref<10000x128xf32, #tpu.memory_space<hbm>>
      tpu.enqueue_indirect_dma source(%dma_start3A_26 : memref<10000x128xf32, #tpu.memory_space<hbm>>) target(%arg10 : memref<128x128xf32, #tpu.memory_space<vmem>>) offsets(%dma_start3A_23 : memref<128xi32, #tpu.memory_space<vmem>>) semaphore(%arg11 : memref<!tpu.dma_semaphore, #tpu.memory_space<semaphore_mem>>)
      %dma_wait3A = arith.constant 0 : i32
      %dma_wait3A_27 = tpu.memref_slice %arg8[%while3A_21, %dma_wait3A] : memref<104x128xi32, #tpu.memory_space<vmem>> -> memref<1x128xi32, #tpu.memory_space<vmem>>
      %dma_wait3A_28 = tpu.memref_squeeze %dma_wait3A_27 : memref<1x128xi32, #tpu.memory_space<vmem>> -> memref<128xi32, #tpu.memory_space<vmem>>
      %dma_wait3A_29 = arith.constant 0 : i32
      %dma_wait3A_30 = arith.constant 0 : i32
      %dma_wait3A_31 = tpu.memref_slice %arg2[%dma_wait3A_29, %dma_wait3A_30] : memref<10000x128xf32, #tpu.memory_space<hbm>> -> memref<10000x128xf32, #tpu.memory_space<hbm>>
      tpu.wait_indirect_dma semaphore(%arg11 : memref<!tpu.dma_semaphore, #tpu.memory_space<semaphore_mem>>) src(%dma_wait3A_31 : memref<10000x128xf32, #tpu.memory_space<hbm>>) dst(%arg10 : memref<128x128xf32, #tpu.memory_space<vmem>>)
      "tpu.region"() ({
        %run_scoped3A = tpu.sem_alloc : memref<!tpu.dma_semaphore, #tpu.memory_space<semaphore_mem>>
        %dma_start3A_32 = arith.constant 0 : i32
        %dma_start3A_33 = tpu.memref_slice %arg9[%while3A_21, %dma_start3A_32] : memref<104x128xi32, #tpu.memory_space<vmem>> -> memref<1x128xi32, #tpu.memory_space<vmem>>
        %dma_start3A_34 = tpu.memref_squeeze %dma_start3A_33 : memref<1x128xi32, #tpu.memory_space<vmem>> -> memref<128xi32, #tpu.memory_space<vmem>>
        %dma_start3A_35 = arith.constant 0 : i32
        %dma_start3A_36 = arith.constant 0 : i32
        %dma_start3A_37 = tpu.memref_slice %arg7[%dma_start3A_35, %dma_start3A_36] : memref<10112x128xf32, #tpu.memory_space<vmem_shared>> -> memref<10112x128xf32, #tpu.memory_space<vmem_shared>>
        tpu.enqueue_indirect_dma source(%arg10 : memref<128x128xf32, #tpu.memory_space<vmem>>) target(%dma_start3A_37 : memref<10112x128xf32, #tpu.memory_space<vmem_shared>>) offsets(%dma_start3A_34 : memref<128xi32, #tpu.memory_space<vmem>>) semaphore(%run_scoped3A : memref<!tpu.dma_semaphore, #tpu.memory_space<semaphore_mem>>) {add = true}
        %dma_wait3A_38 = arith.constant 0 : i32
        %dma_wait3A_39 = tpu.memref_slice %arg9[%while3A_21, %dma_wait3A_38] : memref<104x128xi32, #tpu.memory_space<vmem>> -> memref<1x128xi32, #tpu.memory_space<vmem>>
        %dma_wait3A_40 = tpu.memref_squeeze %dma_wait3A_39 : memref<1x128xi32, #tpu.memory_space<vmem>> -> memref<128xi32, #tpu.memory_space<vmem>>
        %dma_wait3A_41 = arith.constant 0 : i32
        %dma_wait3A_42 = arith.constant 0 : i32
        %dma_wait3A_43 = tpu.memref_slice %arg7[%dma_wait3A_41, %dma_wait3A_42] : memref<10112x128xf32, #tpu.memory_space<vmem_shared>> -> memref<10112x128xf32, #tpu.memory_space<vmem_shared>>
        tpu.wait_indirect_dma semaphore(%run_scoped3A : memref<!tpu.dma_semaphore, #tpu.memory_space<semaphore_mem>>) src(%arg10 : memref<128x128xf32, #tpu.memory_space<vmem>>) dst(%dma_wait3A_43 : memref<10112x128xf32, #tpu.memory_space<vmem_shared>>)
        tpu.yield
      }) : () -> ()
    }
    %barrier3A_16 = arith.constant 0 : index
    tpu.barrier barrier_id(%barrier3A_16)
    %mul3A_17 = arith.constant 632 : i32
    %mul3A_18 = arith.muli %arg1, %mul3A_17 : i32
    %mul3A_19 = arith.constant 632 : i32
    %mul3A_20 = arith.muli %arg1, %mul3A_19 : i32
    "tpu.region"() ({
      %run_scoped3A = tpu.sem_alloc : memref<!tpu.dma_semaphore, #tpu.memory_space<semaphore_mem>>
      %dma_start3A = arith.constant 0 : i32
      %dma_start3A_21 = tpu.memref_slice %arg6[%arg0, %mul3A_20, %dma_start3A] : memref<2x10112x128xf32, #tpu.memory_space<hbm>> -> memref<1x632x128xf32, #tpu.memory_space<hbm>>
      %dma_start3A_22 = tpu.memref_squeeze %dma_start3A_21 : memref<1x632x128xf32, #tpu.memory_space<hbm>> -> memref<632x128xf32, #tpu.memory_space<hbm>>
      %dma_start3A_23 = arith.constant 0 : i32
      %dma_start3A_24 = tpu.memref_slice %arg7[%mul3A_18, %dma_start3A_23] : memref<10112x128xf32, #tpu.memory_space<vmem_shared>> -> memref<632x128xf32, #tpu.memory_space<vmem_shared>>
      tpu.enqueue_dma source(%dma_start3A_24 : memref<632x128xf32, #tpu.memory_space<vmem_shared>>) target(%dma_start3A_22 : memref<632x128xf32, #tpu.memory_space<hbm>>) target_semaphore(%run_scoped3A : memref<!tpu.dma_semaphore, #tpu.memory_space<semaphore_mem>>)
      %dma_wait3A = arith.constant 0 : i32
      %dma_wait3A_25 = tpu.memref_slice %arg6[%arg0, %mul3A_20, %dma_wait3A] : memref<2x10112x128xf32, #tpu.memory_space<hbm>> -> memref<1x632x128xf32, #tpu.memory_space<hbm>>
      %dma_wait3A_26 = tpu.memref_squeeze %dma_wait3A_25 : memref<1x632x128xf32, #tpu.memory_space<hbm>> -> memref<632x128xf32, #tpu.memory_space<hbm>>
      %dma_wait3A_27 = arith.constant 0 : i32
      %dma_wait3A_28 = tpu.memref_slice %arg7[%mul3A_18, %dma_wait3A_27] : memref<10112x128xf32, #tpu.memory_space<vmem_shared>> -> memref<632x128xf32, #tpu.memory_space<vmem_shared>>
      tpu.wait_dma2 semaphore(%run_scoped3A : memref<!tpu.dma_semaphore, #tpu.memory_space<semaphore_mem>>) src(%dma_wait3A_28 : memref<632x128xf32, #tpu.memory_space<vmem_shared>>) dst(%dma_wait3A_26 : memref<632x128xf32, #tpu.memory_space<hbm>>)
      tpu.yield
    }) : () -> ()
    return
  }
}

#map = affine_map<(d0, d1) -> (0, 0)>
#map1 = affine_map<(d0, d1) -> (0, 0, 0)>
module attributes {stable_mosaic.version = 14 : i64} {
  func.func @_sc_scatter_body(%arg0: i32, %arg1: i32, %arg2: memref<10000x128xf32, #tpu.memory_space<hbm>>, %arg3: memref<32x104x128xi32, #tpu.memory_space<hbm>>, %arg4: memref<32x104x128xi32, #tpu.memory_space<hbm>>, %arg5: memref<10112x128xf32, #tpu.memory_space<hbm>>, %arg6: memref<2x10112x128xf32, #tpu.memory_space<hbm>>, %arg7: memref<10112x128xf32, #tpu.memory_space<vmem_shared>>, %arg8: memref<104x128xi32, #tpu.memory_space<vmem>>, %arg9: memref<104x128xi32, #tpu.memory_space<vmem>>, %arg10: memref<128x128xf32, #tpu.memory_space<vmem>>, %arg11: memref<!tpu.dma_semaphore, #tpu.memory_space<semaphore_mem>>) attributes {dimension_semantics = [#tpu.dimension_semantics<core_parallel>, #tpu.dimension_semantics<subcore_parallel>], iteration_bounds = array<i64: 2, 16>, scalar_prefetch = 0 : i64, scratch_operands = 5 : i64, tpu.core_type = #tpu.core_type<sc_vector_subcore>, window_params = [{transform_indices = #map}, {transform_indices = #map1}, {transform_indices = #map1}, {transform_indices = #map}, {transform_indices = #map1}]} {
    %mul3A = arith.constant 16 : i32
    %mul3A_0 = arith.muli %arg0, %mul3A : i32
    %add3A = arith.addi %mul3A_0, %arg1 : i32
    %mul3A_1 = arith.constant 632 : i32
    %mul3A_2 = arith.muli %arg1, %mul3A_1 : i32
    %mul3A_3 = arith.constant 632 : i32
    %mul3A_4 = arith.muli %arg1, %mul3A_3 : i32
    "tpu.region"() ({
      %run_scoped3A = tpu.sem_alloc : memref<!tpu.dma_semaphore, #tpu.memory_space<semaphore_mem>>
      %dma_start3A = arith.constant 0 : i32
      %dma_start3A_21 = tpu.memref_slice %arg7[%mul3A_4, %dma_start3A] : memref<10112x128xf32, #tpu.memory_space<vmem_shared>> -> memref<632x128xf32, #tpu.memory_space<vmem_shared>>
      %dma_start3A_22 = arith.constant 0 : i32
      %dma_start3A_23 = tpu.memref_slice %arg5[%mul3A_2, %dma_start3A_22] : memref<10112x128xf32, #tpu.memory_space<hbm>> -> memref<632x128xf32, #tpu.memory_space<hbm>>
      tpu.enqueue_dma source(%dma_start3A_23 : memref<632x128xf32, #tpu.memory_space<hbm>>) target(%dma_start3A_21 : memref<632x128xf32, #tpu.memory_space<vmem_shared>>) target_semaphore(%run_scoped3A : memref<!tpu.dma_semaphore, #tpu.memory_space<semaphore_mem>>)
      %dma_wait3A = arith.constant 0 : i32
      %dma_wait3A_24 = tpu.memref_slice %arg7[%mul3A_4, %dma_wait3A] : memref<10112x128xf32, #tpu.memory_space<vmem_shared>> -> memref<632x128xf32, #tpu.memory_space<vmem_shared>>
      %dma_wait3A_25 = arith.constant 0 : i32
      %dma_wait3A_26 = tpu.memref_slice %arg5[%mul3A_2, %dma_wait3A_25] : memref<10112x128xf32, #tpu.memory_space<hbm>> -> memref<632x128xf32, #tpu.memory_space<hbm>>
      tpu.wait_dma2 semaphore(%run_scoped3A : memref<!tpu.dma_semaphore, #tpu.memory_space<semaphore_mem>>) src(%dma_wait3A_26 : memref<632x128xf32, #tpu.memory_space<hbm>>) dst(%dma_wait3A_24 : memref<632x128xf32, #tpu.memory_space<vmem_shared>>)
      tpu.yield
    }) : () -> ()
    %barrier3A = arith.constant 0 : index
    tpu.barrier barrier_id(%barrier3A)
    "tpu.region"() ({
      %run_scoped3A = tpu.sem_alloc : memref<!tpu.dma_semaphore, #tpu.memory_space<semaphore_mem>>
      %dma_start3A = arith.constant 0 : i32
      %dma_start3A_21 = arith.constant 0 : i32
      %dma_start3A_22 = tpu.memref_slice %arg3[%add3A, %dma_start3A, %dma_start3A_21] : memref<32x104x128xi32, #tpu.memory_space<hbm>> -> memref<1x104x128xi32, #tpu.memory_space<hbm>>
      %dma_start3A_23 = tpu.memref_squeeze %dma_start3A_22 : memref<1x104x128xi32, #tpu.memory_space<hbm>> -> memref<104x128xi32, #tpu.memory_space<hbm>>
      %dma_start3A_24 = arith.constant 0 : i32
      %dma_start3A_25 = arith.constant 0 : i32
      %dma_start3A_26 = tpu.memref_slice %arg3[%add3A, %dma_start3A_24, %dma_start3A_25] : memref<32x104x128xi32, #tpu.memory_space<hbm>> -> memref<1x104x128xi32, #tpu.memory_space<hbm>>
      %dma_start3A_27 = tpu.memref_squeeze %dma_start3A_26 : memref<1x104x128xi32, #tpu.memory_space<hbm>> -> memref<104x128xi32, #tpu.memory_space<hbm>>
      tpu.enqueue_dma source(%dma_start3A_27 : memref<104x128xi32, #tpu.memory_space<hbm>>) target(%arg8 : memref<104x128xi32, #tpu.memory_space<vmem>>) target_semaphore(%run_scoped3A : memref<!tpu.dma_semaphore, #tpu.memory_space<semaphore_mem>>)
      %dma_wait3A = arith.constant 0 : i32
      %dma_wait3A_28 = arith.constant 0 : i32
      %dma_wait3A_29 = tpu.memref_slice %arg3[%add3A, %dma_wait3A, %dma_wait3A_28] : memref<32x104x128xi32, #tpu.memory_space<hbm>> -> memref<1x104x128xi32, #tpu.memory_space<hbm>>
      %dma_wait3A_30 = tpu.memref_squeeze %dma_wait3A_29 : memref<1x104x128xi32, #tpu.memory_space<hbm>> -> memref<104x128xi32, #tpu.memory_space<hbm>>
      %dma_wait3A_31 = arith.constant 0 : i32
      %dma_wait3A_32 = arith.constant 0 : i32
      %dma_wait3A_33 = tpu.memref_slice %arg3[%add3A, %dma_wait3A_31, %dma_wait3A_32] : memref<32x104x128xi32, #tpu.memory_space<hbm>> -> memref<1x104x128xi32, #tpu.memory_space<hbm>>
      %dma_wait3A_34 = tpu.memref_squeeze %dma_wait3A_33 : memref<1x104x128xi32, #tpu.memory_space<hbm>> -> memref<104x128xi32, #tpu.memory_space<hbm>>
      tpu.wait_dma2 semaphore(%run_scoped3A : memref<!tpu.dma_semaphore, #tpu.memory_space<semaphore_mem>>) src(%dma_wait3A_34 : memref<104x128xi32, #tpu.memory_space<hbm>>) dst(%arg8 : memref<104x128xi32, #tpu.memory_space<vmem>>)
      tpu.yield
    }) : () -> ()
    "tpu.region"() ({
      %run_scoped3A = tpu.sem_alloc : memref<!tpu.dma_semaphore, #tpu.memory_space<semaphore_mem>>
      %dma_start3A = arith.constant 0 : i32
      %dma_start3A_21 = arith.constant 0 : i32
      %dma_start3A_22 = tpu.memref_slice %arg4[%add3A, %dma_start3A, %dma_start3A_21] : memref<32x104x128xi32, #tpu.memory_space<hbm>> -> memref<1x104x128xi32, #tpu.memory_space<hbm>>
      %dma_start3A_23 = tpu.memref_squeeze %dma_start3A_22 : memref<1x104x128xi32, #tpu.memory_space<hbm>> -> memref<104x128xi32, #tpu.memory_space<hbm>>
      %dma_start3A_24 = arith.constant 0 : i32
      %dma_start3A_25 = arith.constant 0 : i32
      %dma_start3A_26 = tpu.memref_slice %arg4[%add3A, %dma_start3A_24, %dma_start3A_25] : memref<32x104x128xi32, #tpu.memory_space<hbm>> -> memref<1x104x128xi32, #tpu.memory_space<hbm>>
      %dma_start3A_27 = tpu.memref_squeeze %dma_start3A_26 : memref<1x104x128xi32, #tpu.memory_space<hbm>> -> memref<104x128xi32, #tpu.memory_space<hbm>>
      tpu.enqueue_dma source(%dma_start3A_27 : memref<104x128xi32, #tpu.memory_space<hbm>>) target(%arg9 : memref<104x128xi32, #tpu.memory_space<vmem>>) target_semaphore(%run_scoped3A : memref<!tpu.dma_semaphore, #tpu.memory_space<semaphore_mem>>)
      %dma_wait3A = arith.constant 0 : i32
      %dma_wait3A_28 = arith.constant 0 : i32
      %dma_wait3A_29 = tpu.memref_slice %arg4[%add3A, %dma_wait3A, %dma_wait3A_28] : memref<32x104x128xi32, #tpu.memory_space<hbm>> -> memref<1x104x128xi32, #tpu.memory_space<hbm>>
      %dma_wait3A_30 = tpu.memref_squeeze %dma_wait3A_29 : memref<1x104x128xi32, #tpu.memory_space<hbm>> -> memref<104x128xi32, #tpu.memory_space<hbm>>
      %dma_wait3A_31 = arith.constant 0 : i32
      %dma_wait3A_32 = arith.constant 0 : i32
      %dma_wait3A_33 = tpu.memref_slice %arg4[%add3A, %dma_wait3A_31, %dma_wait3A_32] : memref<32x104x128xi32, #tpu.memory_space<hbm>> -> memref<1x104x128xi32, #tpu.memory_space<hbm>>
      %dma_wait3A_34 = tpu.memref_squeeze %dma_wait3A_33 : memref<1x104x128xi32, #tpu.memory_space<hbm>> -> memref<104x128xi32, #tpu.memory_space<hbm>>
      tpu.wait_dma2 semaphore(%run_scoped3A : memref<!tpu.dma_semaphore, #tpu.memory_space<semaphore_mem>>) src(%dma_wait3A_34 : memref<104x128xi32, #tpu.memory_space<hbm>>) dst(%arg9 : memref<104x128xi32, #tpu.memory_space<vmem>>)
      tpu.yield
    }) : () -> ()
    %eq3A = arith.constant 0 : i32
    %eq3A_5 = arith.cmpi eq, %arg0, %eq3A : i32
    %jit3A = arith.constant 104 : i32
    %jit3A_6 = arith.constant 53 : i32
    %select_n3A = arith.select %eq3A_5, %jit3A, %jit3A_6 : i32
    %while3A = arith.constant 0 : i32
    %while3A_7 = arith.constant 0 : i32
    %while3A_8 = arith.subi %select_n3A, %while3A_7 : i32
    %while3A_9 = arith.addi %while3A_7, %while3A_8 : i32
    %while3A_10 = arith.constant 1 : i32
    %while3A_11 = arith.divsi %while3A_8, %while3A_10 : i32
    %while3A_12 = arith.muli %while3A_11, %while3A_10 : i32
    %while3A_13 = arith.addi %while3A_7, %while3A_12 : i32
    %while3A_14 = arith.constant 1 : i32
    scf.for %while3A_21 = %while3A_7 to %while3A_13 step %while3A_14  : i32 {
      %dma_start3A = arith.constant 0 : i32
      %dma_start3A_22 = tpu.memref_slice %arg8[%while3A_21, %dma_start3A] : memref<104x128xi32, #tpu.memory_space<vmem>> -> memref<1x128xi32, #tpu.memory_space<vmem>>
      %dma_start3A_23 = tpu.memref_squeeze %dma_start3A_22 : memref<1x128xi32, #tpu.memory_space<vmem>> -> memref<128xi32, #tpu.memory_space<vmem>>
      %dma_start3A_24 = arith.constant 0 : i32
      %dma_start3A_25 = arith.constant 0 : i32
      %dma_start3A_26 = tpu.memref_slice %arg2[%dma_start3A_24, %dma_start3A_25] : memref<10000x128xf32, #tpu.memory_space<hbm>> -> memref<10000x128xf32, #tpu.memory_space<hbm>>
      tpu.enqueue_indirect_dma source(%dma_start3A_26 : memref<10000x128xf32, #tpu.memory_space<hbm>>) target(%arg10 : memref<128x128xf32, #tpu.memory_space<vmem>>) offsets(%dma_start3A_23 : memref<128xi32, #tpu.memory_space<vmem>>) semaphore(%arg11 : memref<!tpu.dma_semaphore, #tpu.memory_space<semaphore_mem>>)
      %dma_wait3A = arith.constant 0 : i32
      %dma_wait3A_27 = tpu.memref_slice %arg8[%while3A_21, %dma_wait3A] : memref<104x128xi32, #tpu.memory_space<vmem>> -> memref<1x128xi32, #tpu.memory_space<vmem>>
      %dma_wait3A_28 = tpu.memref_squeeze %dma_wait3A_27 : memref<1x128xi32, #tpu.memory_space<vmem>> -> memref<128xi32, #tpu.memory_space<vmem>>
      %dma_wait3A_29 = arith.constant 0 : i32
      %dma_wait3A_30 = arith.constant 0 : i32
      %dma_wait3A_31 = tpu.memref_slice %arg2[%dma_wait3A_29, %dma_wait3A_30] : memref<10000x128xf32, #tpu.memory_space<hbm>> -> memref<10000x128xf32, #tpu.memory_space<hbm>>
      tpu.wait_indirect_dma semaphore(%arg11 : memref<!tpu.dma_semaphore, #tpu.memory_space<semaphore_mem>>) src(%dma_wait3A_31 : memref<10000x128xf32, #tpu.memory_space<hbm>>) dst(%arg10 : memref<128x128xf32, #tpu.memory_space<vmem>>)
      "tpu.region"() ({
        %run_scoped3A = tpu.sem_alloc : memref<!tpu.dma_semaphore, #tpu.memory_space<semaphore_mem>>
        %dma_start3A_32 = arith.constant 0 : i32
        %dma_start3A_33 = tpu.memref_slice %arg9[%while3A_21, %dma_start3A_32] : memref<104x128xi32, #tpu.memory_space<vmem>> -> memref<1x128xi32, #tpu.memory_space<vmem>>
        %dma_start3A_34 = tpu.memref_squeeze %dma_start3A_33 : memref<1x128xi32, #tpu.memory_space<vmem>> -> memref<128xi32, #tpu.memory_space<vmem>>
        %dma_start3A_35 = arith.constant 0 : i32
        %dma_start3A_36 = arith.constant 0 : i32
        %dma_start3A_37 = tpu.memref_slice %arg7[%dma_start3A_35, %dma_start3A_36] : memref<10112x128xf32, #tpu.memory_space<vmem_shared>> -> memref<10112x128xf32, #tpu.memory_space<vmem_shared>>
        tpu.enqueue_indirect_dma source(%arg10 : memref<128x128xf32, #tpu.memory_space<vmem>>) target(%dma_start3A_37 : memref<10112x128xf32, #tpu.memory_space<vmem_shared>>) offsets(%dma_start3A_34 : memref<128xi32, #tpu.memory_space<vmem>>) semaphore(%run_scoped3A : memref<!tpu.dma_semaphore, #tpu.memory_space<semaphore_mem>>) {add = true}
        %dma_wait3A_38 = arith.constant 0 : i32
        %dma_wait3A_39 = tpu.memref_slice %arg9[%while3A_21, %dma_wait3A_38] : memref<104x128xi32, #tpu.memory_space<vmem>> -> memref<1x128xi32, #tpu.memory_space<vmem>>
        %dma_wait3A_40 = tpu.memref_squeeze %dma_wait3A_39 : memref<1x128xi32, #tpu.memory_space<vmem>> -> memref<128xi32, #tpu.memory_space<vmem>>
        %dma_wait3A_41 = arith.constant 0 : i32
        %dma_wait3A_42 = arith.constant 0 : i32
        %dma_wait3A_43 = tpu.memref_slice %arg7[%dma_wait3A_41, %dma_wait3A_42] : memref<10112x128xf32, #tpu.memory_space<vmem_shared>> -> memref<10112x128xf32, #tpu.memory_space<vmem_shared>>
        tpu.wait_indirect_dma semaphore(%run_scoped3A : memref<!tpu.dma_semaphore, #tpu.memory_space<semaphore_mem>>) src(%arg10 : memref<128x128xf32, #tpu.memory_space<vmem>>) dst(%dma_wait3A_43 : memref<10112x128xf32, #tpu.memory_space<vmem_shared>>)
        tpu.yield
      }) : () -> ()
    }
    %while3A_15 = arith.constant 1 : i32
    scf.for %while3A_21 = %while3A_13 to %while3A_9 step %while3A_15  : i32 {
      %dma_start3A = arith.constant 0 : i32
      %dma_start3A_22 = tpu.memref_slice %arg8[%while3A_21, %dma_start3A] : memref<104x128xi32, #tpu.memory_space<vmem>> -> memref<1x128xi32, #tpu.memory_space<vmem>>
      %dma_start3A_23 = tpu.memref_squeeze %dma_start3A_22 : memref<1x128xi32, #tpu.memory_space<vmem>> -> memref<128xi32, #tpu.memory_space<vmem>>
      %dma_start3A_24 = arith.constant 0 : i32
      %dma_start3A_25 = arith.constant 0 : i32
      %dma_start3A_26 = tpu.memref_slice %arg2[%dma_start3A_24, %dma_start3A_25] : memref<10000x128xf32, #tpu.memory_space<hbm>> -> memref<10000x128xf32, #tpu.memory_space<hbm>>
      tpu.enqueue_indirect_dma source(%dma_start3A_26 : memref<10000x128xf32, #tpu.memory_space<hbm>>) target(%arg10 : memref<128x128xf32, #tpu.memory_space<vmem>>) offsets(%dma_start3A_23 : memref<128xi32, #tpu.memory_space<vmem>>) semaphore(%arg11 : memref<!tpu.dma_semaphore, #tpu.memory_space<semaphore_mem>>)
      %dma_wait3A = arith.constant 0 : i32
      %dma_wait3A_27 = tpu.memref_slice %arg8[%while3A_21, %dma_wait3A] : memref<104x128xi32, #tpu.memory_space<vmem>> -> memref<1x128xi32, #tpu.memory_space<vmem>>
      %dma_wait3A_28 = tpu.memref_squeeze %dma_wait3A_27 : memref<1x128xi32, #tpu.memory_space<vmem>> -> memref<128xi32, #tpu.memory_space<vmem>>
      %dma_wait3A_29 = arith.constant 0 : i32
      %dma_wait3A_30 = arith.constant 0 : i32
      %dma_wait3A_31 = tpu.memref_slice %arg2[%dma_wait3A_29, %dma_wait3A_30] : memref<10000x128xf32, #tpu.memory_space<hbm>> -> memref<10000x128xf32, #tpu.memory_space<hbm>>
      tpu.wait_indirect_dma semaphore(%arg11 : memref<!tpu.dma_semaphore, #tpu.memory_space<semaphore_mem>>) src(%dma_wait3A_31 : memref<10000x128xf32, #tpu.memory_space<hbm>>) dst(%arg10 : memref<128x128xf32, #tpu.memory_space<vmem>>)
      "tpu.region"() ({
        %run_scoped3A = tpu.sem_alloc : memref<!tpu.dma_semaphore, #tpu.memory_space<semaphore_mem>>
        %dma_start3A_32 = arith.constant 0 : i32
        %dma_start3A_33 = tpu.memref_slice %arg9[%while3A_21, %dma_start3A_32] : memref<104x128xi32, #tpu.memory_space<vmem>> -> memref<1x128xi32, #tpu.memory_space<vmem>>
        %dma_start3A_34 = tpu.memref_squeeze %dma_start3A_33 : memref<1x128xi32, #tpu.memory_space<vmem>> -> memref<128xi32, #tpu.memory_space<vmem>>
        %dma_start3A_35 = arith.constant 0 : i32
        %dma_start3A_36 = arith.constant 0 : i32
        %dma_start3A_37 = tpu.memref_slice %arg7[%dma_start3A_35, %dma_start3A_36] : memref<10112x128xf32, #tpu.memory_space<vmem_shared>> -> memref<10112x128xf32, #tpu.memory_space<vmem_shared>>
        tpu.enqueue_indirect_dma source(%arg10 : memref<128x128xf32, #tpu.memory_space<vmem>>) target(%dma_start3A_37 : memref<10112x128xf32, #tpu.memory_space<vmem_shared>>) offsets(%dma_start3A_34 : memref<128xi32, #tpu.memory_space<vmem>>) semaphore(%run_scoped3A : memref<!tpu.dma_semaphore, #tpu.memory_space<semaphore_mem>>) {add = true}
        %dma_wait3A_38 = arith.constant 0 : i32
        %dma_wait3A_39 = tpu.memref_slice %arg9[%while3A_21, %dma_wait3A_38] : memref<104x128xi32, #tpu.memory_space<vmem>> -> memref<1x128xi32, #tpu.memory_space<vmem>>
        %dma_wait3A_40 = tpu.memref_squeeze %dma_wait3A_39 : memref<1x128xi32, #tpu.memory_space<vmem>> -> memref<128xi32, #tpu.memory_space<vmem>>
        %dma_wait3A_41 = arith.constant 0 : i32
        %dma_wait3A_42 = arith.constant 0 : i32
        %dma_wait3A_43 = tpu.memref_slice %arg7[%dma_wait3A_41, %dma_wait3A_42] : memref<10112x128xf32, #tpu.memory_space<vmem_shared>> -> memref<10112x128xf32, #tpu.memory_space<vmem_shared>>
        tpu.wait_indirect_dma semaphore(%run_scoped3A : memref<!tpu.dma_semaphore, #tpu.memory_space<semaphore_mem>>) src(%arg10 : memref<128x128xf32, #tpu.memory_space<vmem>>) dst(%dma_wait3A_43 : memref<10112x128xf32, #tpu.memory_space<vmem_shared>>)
        tpu.yield
      }) : () -> ()
    }
    %barrier3A_16 = arith.constant 0 : index
    tpu.barrier barrier_id(%barrier3A_16)
    %mul3A_17 = arith.constant 632 : i32
    %mul3A_18 = arith.muli %arg1, %mul3A_17 : i32
    %mul3A_19 = arith.constant 632 : i32
    %mul3A_20 = arith.muli %arg1, %mul3A_19 : i32
    "tpu.region"() ({
      %run_scoped3A = tpu.sem_alloc : memref<!tpu.dma_semaphore, #tpu.memory_space<semaphore_mem>>
      %dma_start3A = arith.constant 0 : i32
      %dma_start3A_21 = tpu.memref_slice %arg6[%arg0, %mul3A_20, %dma_start3A] : memref<2x10112x128xf32, #tpu.memory_space<hbm>> -> memref<1x632x128xf32, #tpu.memory_space<hbm>>
      %dma_start3A_22 = tpu.memref_squeeze %dma_start3A_21 : memref<1x632x128xf32, #tpu.memory_space<hbm>> -> memref<632x128xf32, #tpu.memory_space<hbm>>
      %dma_start3A_23 = arith.constant 0 : i32
      %dma_start3A_24 = tpu.memref_slice %arg7[%mul3A_18, %dma_start3A_23] : memref<10112x128xf32, #tpu.memory_space<vmem_shared>> -> memref<632x128xf32, #tpu.memory_space<vmem_shared>>
      tpu.enqueue_dma source(%dma_start3A_24 : memref<632x128xf32, #tpu.memory_space<vmem_shared>>) target(%dma_start3A_22 : memref<632x128xf32, #tpu.memory_space<hbm>>) target_semaphore(%run_scoped3A : memref<!tpu.dma_semaphore, #tpu.memory_space<semaphore_mem>>)
      %dma_wait3A = arith.constant 0 : i32
      %dma_wait3A_25 = tpu.memref_slice %arg6[%arg0, %mul3A_20, %dma_wait3A] : memref<2x10112x128xf32, #tpu.memory_space<hbm>> -> memref<1x632x128xf32, #tpu.memory_space<hbm>>
      %dma_wait3A_26 = tpu.memref_squeeze %dma_wait3A_25 : memref<1x632x128xf32, #tpu.memory_space<hbm>> -> memref<632x128xf32, #tpu.memory_space<hbm>>
      %dma_wait3A_27 = arith.constant 0 : i32
      %dma_wait3A_28 = tpu.memref_slice %arg7[%mul3A_18, %dma_wait3A_27] : memref<10112x128xf32, #tpu.memory_space<vmem_shared>> -> memref<632x128xf32, #tpu.memory_space<vmem_shared>>
      tpu.wait_dma2 semaphore(%run_scoped3A : memref<!tpu.dma_semaphore, #tpu.memory_space<semaphore_mem>>) src(%dma_wait3A_28 : memref<632x128xf32, #tpu.memory_space<vmem_shared>>) dst(%dma_wait3A_26 : memref<632x128xf32, #tpu.memory_space<hbm>>)
      tpu.yield
    }) : () -> ()
    return
  }
}

#map = affine_map<(d0, d1) -> (0, 0)>
#map1 = affine_map<(d0, d1) -> (0, 0, 0)>
module attributes {stable_mosaic.version = 14 : i64} {
  func.func @_sc_scatter_body(%arg0: i32, %arg1: i32, %arg2: memref<10000x128xf32, #tpu.memory_space<hbm>>, %arg3: memref<32x104x128xi32, #tpu.memory_space<hbm>>, %arg4: memref<32x104x128xi32, #tpu.memory_space<hbm>>, %arg5: memref<10112x128xf32, #tpu.memory_space<hbm>>, %arg6: memref<2x10112x128xf32, #tpu.memory_space<hbm>>, %arg7: memref<10112x128xf32, #tpu.memory_space<vmem_shared>>, %arg8: memref<104x128xi32, #tpu.memory_space<vmem>>, %arg9: memref<104x128xi32, #tpu.memory_space<vmem>>, %arg10: memref<128x128xf32, #tpu.memory_space<vmem>>, %arg11: memref<!tpu.dma_semaphore, #tpu.memory_space<semaphore_mem>>) attributes {dimension_semantics = [#tpu.dimension_semantics<core_parallel>, #tpu.dimension_semantics<subcore_parallel>], iteration_bounds = array<i64: 2, 16>, scalar_prefetch = 0 : i64, scratch_operands = 5 : i64, tpu.core_type = #tpu.core_type<sc_vector_subcore>, window_params = [{transform_indices = #map}, {transform_indices = #map1}, {transform_indices = #map1}, {transform_indices = #map}, {transform_indices = #map1}]} {
    %mul3A = arith.constant 16 : i32
    %mul3A_0 = arith.muli %arg0, %mul3A : i32
    %add3A = arith.addi %mul3A_0, %arg1 : i32
    %mul3A_1 = arith.constant 632 : i32
    %mul3A_2 = arith.muli %arg1, %mul3A_1 : i32
    %mul3A_3 = arith.constant 632 : i32
    %mul3A_4 = arith.muli %arg1, %mul3A_3 : i32
    "tpu.region"() ({
      %run_scoped3A = tpu.sem_alloc : memref<!tpu.dma_semaphore, #tpu.memory_space<semaphore_mem>>
      %dma_start3A = arith.constant 0 : i32
      %dma_start3A_21 = tpu.memref_slice %arg7[%mul3A_4, %dma_start3A] : memref<10112x128xf32, #tpu.memory_space<vmem_shared>> -> memref<632x128xf32, #tpu.memory_space<vmem_shared>>
      %dma_start3A_22 = arith.constant 0 : i32
      %dma_start3A_23 = tpu.memref_slice %arg5[%mul3A_2, %dma_start3A_22] : memref<10112x128xf32, #tpu.memory_space<hbm>> -> memref<632x128xf32, #tpu.memory_space<hbm>>
      tpu.enqueue_dma source(%dma_start3A_23 : memref<632x128xf32, #tpu.memory_space<hbm>>) target(%dma_start3A_21 : memref<632x128xf32, #tpu.memory_space<vmem_shared>>) target_semaphore(%run_scoped3A : memref<!tpu.dma_semaphore, #tpu.memory_space<semaphore_mem>>)
      %dma_wait3A = arith.constant 0 : i32
      %dma_wait3A_24 = tpu.memref_slice %arg7[%mul3A_4, %dma_wait3A] : memref<10112x128xf32, #tpu.memory_space<vmem_shared>> -> memref<632x128xf32, #tpu.memory_space<vmem_shared>>
      %dma_wait3A_25 = arith.constant 0 : i32
      %dma_wait3A_26 = tpu.memref_slice %arg5[%mul3A_2, %dma_wait3A_25] : memref<10112x128xf32, #tpu.memory_space<hbm>> -> memref<632x128xf32, #tpu.memory_space<hbm>>
      tpu.wait_dma2 semaphore(%run_scoped3A : memref<!tpu.dma_semaphore, #tpu.memory_space<semaphore_mem>>) src(%dma_wait3A_26 : memref<632x128xf32, #tpu.memory_space<hbm>>) dst(%dma_wait3A_24 : memref<632x128xf32, #tpu.memory_space<vmem_shared>>)
      tpu.yield
    }) : () -> ()
    %barrier3A = arith.constant 0 : index
    tpu.barrier barrier_id(%barrier3A)
    "tpu.region"() ({
      %run_scoped3A = tpu.sem_alloc : memref<!tpu.dma_semaphore, #tpu.memory_space<semaphore_mem>>
      %dma_start3A = arith.constant 0 : i32
      %dma_start3A_21 = arith.constant 0 : i32
      %dma_start3A_22 = tpu.memref_slice %arg3[%add3A, %dma_start3A, %dma_start3A_21] : memref<32x104x128xi32, #tpu.memory_space<hbm>> -> memref<1x104x128xi32, #tpu.memory_space<hbm>>
      %dma_start3A_23 = tpu.memref_squeeze %dma_start3A_22 : memref<1x104x128xi32, #tpu.memory_space<hbm>> -> memref<104x128xi32, #tpu.memory_space<hbm>>
      %dma_start3A_24 = arith.constant 0 : i32
      %dma_start3A_25 = arith.constant 0 : i32
      %dma_start3A_26 = tpu.memref_slice %arg3[%add3A, %dma_start3A_24, %dma_start3A_25] : memref<32x104x128xi32, #tpu.memory_space<hbm>> -> memref<1x104x128xi32, #tpu.memory_space<hbm>>
      %dma_start3A_27 = tpu.memref_squeeze %dma_start3A_26 : memref<1x104x128xi32, #tpu.memory_space<hbm>> -> memref<104x128xi32, #tpu.memory_space<hbm>>
      tpu.enqueue_dma source(%dma_start3A_27 : memref<104x128xi32, #tpu.memory_space<hbm>>) target(%arg8 : memref<104x128xi32, #tpu.memory_space<vmem>>) target_semaphore(%run_scoped3A : memref<!tpu.dma_semaphore, #tpu.memory_space<semaphore_mem>>)
      %dma_wait3A = arith.constant 0 : i32
      %dma_wait3A_28 = arith.constant 0 : i32
      %dma_wait3A_29 = tpu.memref_slice %arg3[%add3A, %dma_wait3A, %dma_wait3A_28] : memref<32x104x128xi32, #tpu.memory_space<hbm>> -> memref<1x104x128xi32, #tpu.memory_space<hbm>>
      %dma_wait3A_30 = tpu.memref_squeeze %dma_wait3A_29 : memref<1x104x128xi32, #tpu.memory_space<hbm>> -> memref<104x128xi32, #tpu.memory_space<hbm>>
      %dma_wait3A_31 = arith.constant 0 : i32
      %dma_wait3A_32 = arith.constant 0 : i32
      %dma_wait3A_33 = tpu.memref_slice %arg3[%add3A, %dma_wait3A_31, %dma_wait3A_32] : memref<32x104x128xi32, #tpu.memory_space<hbm>> -> memref<1x104x128xi32, #tpu.memory_space<hbm>>
      %dma_wait3A_34 = tpu.memref_squeeze %dma_wait3A_33 : memref<1x104x128xi32, #tpu.memory_space<hbm>> -> memref<104x128xi32, #tpu.memory_space<hbm>>
      tpu.wait_dma2 semaphore(%run_scoped3A : memref<!tpu.dma_semaphore, #tpu.memory_space<semaphore_mem>>) src(%dma_wait3A_34 : memref<104x128xi32, #tpu.memory_space<hbm>>) dst(%arg8 : memref<104x128xi32, #tpu.memory_space<vmem>>)
      tpu.yield
    }) : () -> ()
    "tpu.region"() ({
      %run_scoped3A = tpu.sem_alloc : memref<!tpu.dma_semaphore, #tpu.memory_space<semaphore_mem>>
      %dma_start3A = arith.constant 0 : i32
      %dma_start3A_21 = arith.constant 0 : i32
      %dma_start3A_22 = tpu.memref_slice %arg4[%add3A, %dma_start3A, %dma_start3A_21] : memref<32x104x128xi32, #tpu.memory_space<hbm>> -> memref<1x104x128xi32, #tpu.memory_space<hbm>>
      %dma_start3A_23 = tpu.memref_squeeze %dma_start3A_22 : memref<1x104x128xi32, #tpu.memory_space<hbm>> -> memref<104x128xi32, #tpu.memory_space<hbm>>
      %dma_start3A_24 = arith.constant 0 : i32
      %dma_start3A_25 = arith.constant 0 : i32
      %dma_start3A_26 = tpu.memref_slice %arg4[%add3A, %dma_start3A_24, %dma_start3A_25] : memref<32x104x128xi32, #tpu.memory_space<hbm>> -> memref<1x104x128xi32, #tpu.memory_space<hbm>>
      %dma_start3A_27 = tpu.memref_squeeze %dma_start3A_26 : memref<1x104x128xi32, #tpu.memory_space<hbm>> -> memref<104x128xi32, #tpu.memory_space<hbm>>
      tpu.enqueue_dma source(%dma_start3A_27 : memref<104x128xi32, #tpu.memory_space<hbm>>) target(%arg9 : memref<104x128xi32, #tpu.memory_space<vmem>>) target_semaphore(%run_scoped3A : memref<!tpu.dma_semaphore, #tpu.memory_space<semaphore_mem>>)
      %dma_wait3A = arith.constant 0 : i32
      %dma_wait3A_28 = arith.constant 0 : i32
      %dma_wait3A_29 = tpu.memref_slice %arg4[%add3A, %dma_wait3A, %dma_wait3A_28] : memref<32x104x128xi32, #tpu.memory_space<hbm>> -> memref<1x104x128xi32, #tpu.memory_space<hbm>>
      %dma_wait3A_30 = tpu.memref_squeeze %dma_wait3A_29 : memref<1x104x128xi32, #tpu.memory_space<hbm>> -> memref<104x128xi32, #tpu.memory_space<hbm>>
      %dma_wait3A_31 = arith.constant 0 : i32
      %dma_wait3A_32 = arith.constant 0 : i32
      %dma_wait3A_33 = tpu.memref_slice %arg4[%add3A, %dma_wait3A_31, %dma_wait3A_32] : memref<32x104x128xi32, #tpu.memory_space<hbm>> -> memref<1x104x128xi32, #tpu.memory_space<hbm>>
      %dma_wait3A_34 = tpu.memref_squeeze %dma_wait3A_33 : memref<1x104x128xi32, #tpu.memory_space<hbm>> -> memref<104x128xi32, #tpu.memory_space<hbm>>
      tpu.wait_dma2 semaphore(%run_scoped3A : memref<!tpu.dma_semaphore, #tpu.memory_space<semaphore_mem>>) src(%dma_wait3A_34 : memref<104x128xi32, #tpu.memory_space<hbm>>) dst(%arg9 : memref<104x128xi32, #tpu.memory_space<vmem>>)
      tpu.yield
    }) : () -> ()
    %eq3A = arith.constant 0 : i32
    %eq3A_5 = arith.cmpi eq, %arg0, %eq3A : i32
    %jit3A = arith.constant 104 : i32
    %jit3A_6 = arith.constant 53 : i32
    %select_n3A = arith.select %eq3A_5, %jit3A, %jit3A_6 : i32
    %while3A = arith.constant 0 : i32
    %while3A_7 = arith.constant 0 : i32
    %while3A_8 = arith.subi %select_n3A, %while3A_7 : i32
    %while3A_9 = arith.addi %while3A_7, %while3A_8 : i32
    %while3A_10 = arith.constant 1 : i32
    %while3A_11 = arith.divsi %while3A_8, %while3A_10 : i32
    %while3A_12 = arith.muli %while3A_11, %while3A_10 : i32
    %while3A_13 = arith.addi %while3A_7, %while3A_12 : i32
    %while3A_14 = arith.constant 1 : i32
    scf.for %while3A_21 = %while3A_7 to %while3A_13 step %while3A_14  : i32 {
      %dma_start3A = arith.constant 0 : i32
      %dma_start3A_22 = tpu.memref_slice %arg8[%while3A_21, %dma_start3A] : memref<104x128xi32, #tpu.memory_space<vmem>> -> memref<1x128xi32, #tpu.memory_space<vmem>>
      %dma_start3A_23 = tpu.memref_squeeze %dma_start3A_22 : memref<1x128xi32, #tpu.memory_space<vmem>> -> memref<128xi32, #tpu.memory_space<vmem>>
      %dma_start3A_24 = arith.constant 0 : i32
      %dma_start3A_25 = arith.constant 0 : i32
      %dma_start3A_26 = tpu.memref_slice %arg2[%dma_start3A_24, %dma_start3A_25] : memref<10000x128xf32, #tpu.memory_space<hbm>> -> memref<10000x128xf32, #tpu.memory_space<hbm>>
      tpu.enqueue_indirect_dma source(%dma_start3A_26 : memref<10000x128xf32, #tpu.memory_space<hbm>>) target(%arg10 : memref<128x128xf32, #tpu.memory_space<vmem>>) offsets(%dma_start3A_23 : memref<128xi32, #tpu.memory_space<vmem>>) semaphore(%arg11 : memref<!tpu.dma_semaphore, #tpu.memory_space<semaphore_mem>>)
      %dma_wait3A = arith.constant 0 : i32
      %dma_wait3A_27 = tpu.memref_slice %arg8[%while3A_21, %dma_wait3A] : memref<104x128xi32, #tpu.memory_space<vmem>> -> memref<1x128xi32, #tpu.memory_space<vmem>>
      %dma_wait3A_28 = tpu.memref_squeeze %dma_wait3A_27 : memref<1x128xi32, #tpu.memory_space<vmem>> -> memref<128xi32, #tpu.memory_space<vmem>>
      %dma_wait3A_29 = arith.constant 0 : i32
      %dma_wait3A_30 = arith.constant 0 : i32
      %dma_wait3A_31 = tpu.memref_slice %arg2[%dma_wait3A_29, %dma_wait3A_30] : memref<10000x128xf32, #tpu.memory_space<hbm>> -> memref<10000x128xf32, #tpu.memory_space<hbm>>
      tpu.wait_indirect_dma semaphore(%arg11 : memref<!tpu.dma_semaphore, #tpu.memory_space<semaphore_mem>>) src(%dma_wait3A_31 : memref<10000x128xf32, #tpu.memory_space<hbm>>) dst(%arg10 : memref<128x128xf32, #tpu.memory_space<vmem>>)
      "tpu.region"() ({
        %run_scoped3A = tpu.sem_alloc : memref<!tpu.dma_semaphore, #tpu.memory_space<semaphore_mem>>
        %dma_start3A_32 = arith.constant 0 : i32
        %dma_start3A_33 = tpu.memref_slice %arg9[%while3A_21, %dma_start3A_32] : memref<104x128xi32, #tpu.memory_space<vmem>> -> memref<1x128xi32, #tpu.memory_space<vmem>>
        %dma_start3A_34 = tpu.memref_squeeze %dma_start3A_33 : memref<1x128xi32, #tpu.memory_space<vmem>> -> memref<128xi32, #tpu.memory_space<vmem>>
        %dma_start3A_35 = arith.constant 0 : i32
        %dma_start3A_36 = arith.constant 0 : i32
        %dma_start3A_37 = tpu.memref_slice %arg7[%dma_start3A_35, %dma_start3A_36] : memref<10112x128xf32, #tpu.memory_space<vmem_shared>> -> memref<10112x128xf32, #tpu.memory_space<vmem_shared>>
        tpu.enqueue_indirect_dma source(%arg10 : memref<128x128xf32, #tpu.memory_space<vmem>>) target(%dma_start3A_37 : memref<10112x128xf32, #tpu.memory_space<vmem_shared>>) offsets(%dma_start3A_34 : memref<128xi32, #tpu.memory_space<vmem>>) semaphore(%run_scoped3A : memref<!tpu.dma_semaphore, #tpu.memory_space<semaphore_mem>>) {add = true}
        %dma_wait3A_38 = arith.constant 0 : i32
        %dma_wait3A_39 = tpu.memref_slice %arg9[%while3A_21, %dma_wait3A_38] : memref<104x128xi32, #tpu.memory_space<vmem>> -> memref<1x128xi32, #tpu.memory_space<vmem>>
        %dma_wait3A_40 = tpu.memref_squeeze %dma_wait3A_39 : memref<1x128xi32, #tpu.memory_space<vmem>> -> memref<128xi32, #tpu.memory_space<vmem>>
        %dma_wait3A_41 = arith.constant 0 : i32
        %dma_wait3A_42 = arith.constant 0 : i32
        %dma_wait3A_43 = tpu.memref_slice %arg7[%dma_wait3A_41, %dma_wait3A_42] : memref<10112x128xf32, #tpu.memory_space<vmem_shared>> -> memref<10112x128xf32, #tpu.memory_space<vmem_shared>>
        tpu.wait_indirect_dma semaphore(%run_scoped3A : memref<!tpu.dma_semaphore, #tpu.memory_space<semaphore_mem>>) src(%arg10 : memref<128x128xf32, #tpu.memory_space<vmem>>) dst(%dma_wait3A_43 : memref<10112x128xf32, #tpu.memory_space<vmem_shared>>)
        tpu.yield
      }) : () -> ()
    }
    %while3A_15 = arith.constant 1 : i32
    scf.for %while3A_21 = %while3A_13 to %while3A_9 step %while3A_15  : i32 {
      %dma_start3A = arith.constant 0 : i32
      %dma_start3A_22 = tpu.memref_slice %arg8[%while3A_21, %dma_start3A] : memref<104x128xi32, #tpu.memory_space<vmem>> -> memref<1x128xi32, #tpu.memory_space<vmem>>
      %dma_start3A_23 = tpu.memref_squeeze %dma_start3A_22 : memref<1x128xi32, #tpu.memory_space<vmem>> -> memref<128xi32, #tpu.memory_space<vmem>>
      %dma_start3A_24 = arith.constant 0 : i32
      %dma_start3A_25 = arith.constant 0 : i32
      %dma_start3A_26 = tpu.memref_slice %arg2[%dma_start3A_24, %dma_start3A_25] : memref<10000x128xf32, #tpu.memory_space<hbm>> -> memref<10000x128xf32, #tpu.memory_space<hbm>>
      tpu.enqueue_indirect_dma source(%dma_start3A_26 : memref<10000x128xf32, #tpu.memory_space<hbm>>) target(%arg10 : memref<128x128xf32, #tpu.memory_space<vmem>>) offsets(%dma_start3A_23 : memref<128xi32, #tpu.memory_space<vmem>>) semaphore(%arg11 : memref<!tpu.dma_semaphore, #tpu.memory_space<semaphore_mem>>)
      %dma_wait3A = arith.constant 0 : i32
      %dma_wait3A_27 = tpu.memref_slice %arg8[%while3A_21, %dma_wait3A] : memref<104x128xi32, #tpu.memory_space<vmem>> -> memref<1x128xi32, #tpu.memory_space<vmem>>
      %dma_wait3A_28 = tpu.memref_squeeze %dma_wait3A_27 : memref<1x128xi32, #tpu.memory_space<vmem>> -> memref<128xi32, #tpu.memory_space<vmem>>
      %dma_wait3A_29 = arith.constant 0 : i32
      %dma_wait3A_30 = arith.constant 0 : i32
      %dma_wait3A_31 = tpu.memref_slice %arg2[%dma_wait3A_29, %dma_wait3A_30] : memref<10000x128xf32, #tpu.memory_space<hbm>> -> memref<10000x128xf32, #tpu.memory_space<hbm>>
      tpu.wait_indirect_dma semaphore(%arg11 : memref<!tpu.dma_semaphore, #tpu.memory_space<semaphore_mem>>) src(%dma_wait3A_31 : memref<10000x128xf32, #tpu.memory_space<hbm>>) dst(%arg10 : memref<128x128xf32, #tpu.memory_space<vmem>>)
      "tpu.region"() ({
        %run_scoped3A = tpu.sem_alloc : memref<!tpu.dma_semaphore, #tpu.memory_space<semaphore_mem>>
        %dma_start3A_32 = arith.constant 0 : i32
        %dma_start3A_33 = tpu.memref_slice %arg9[%while3A_21, %dma_start3A_32] : memref<104x128xi32, #tpu.memory_space<vmem>> -> memref<1x128xi32, #tpu.memory_space<vmem>>
        %dma_start3A_34 = tpu.memref_squeeze %dma_start3A_33 : memref<1x128xi32, #tpu.memory_space<vmem>> -> memref<128xi32, #tpu.memory_space<vmem>>
        %dma_start3A_35 = arith.constant 0 : i32
        %dma_start3A_36 = arith.constant 0 : i32
        %dma_start3A_37 = tpu.memref_slice %arg7[%dma_start3A_35, %dma_start3A_36] : memref<10112x128xf32, #tpu.memory_space<vmem_shared>> -> memref<10112x128xf32, #tpu.memory_space<vmem_shared>>
        tpu.enqueue_indirect_dma source(%arg10 : memref<128x128xf32, #tpu.memory_space<vmem>>) target(%dma_start3A_37 : memref<10112x128xf32, #tpu.memory_space<vmem_shared>>) offsets(%dma_start3A_34 : memref<128xi32, #tpu.memory_space<vmem>>) semaphore(%run_scoped3A : memref<!tpu.dma_semaphore, #tpu.memory_space<semaphore_mem>>) {add = true}
        %dma_wait3A_38 = arith.constant 0 : i32
        %dma_wait3A_39 = tpu.memref_slice %arg9[%while3A_21, %dma_wait3A_38] : memref<104x128xi32, #tpu.memory_space<vmem>> -> memref<1x128xi32, #tpu.memory_space<vmem>>
        %dma_wait3A_40 = tpu.memref_squeeze %dma_wait3A_39 : memref<1x128xi32, #tpu.memory_space<vmem>> -> memref<128xi32, #tpu.memory_space<vmem>>
        %dma_wait3A_41 = arith.constant 0 : i32
        %dma_wait3A_42 = arith.constant 0 : i32
        %dma_wait3A_43 = tpu.memref_slice %arg7[%dma_wait3A_41, %dma_wait3A_42] : memref<10112x128xf32, #tpu.memory_space<vmem_shared>> -> memref<10112x128xf32, #tpu.memory_space<vmem_shared>>
        tpu.wait_indirect_dma semaphore(%run_scoped3A : memref<!tpu.dma_semaphore, #tpu.memory_space<semaphore_mem>>) src(%arg10 : memref<128x128xf32, #tpu.memory_space<vmem>>) dst(%dma_wait3A_43 : memref<10112x128xf32, #tpu.memory_space<vmem_shared>>)
        tpu.yield
      }) : () -> ()
    }
    %barrier3A_16 = arith.constant 0 : index
    tpu.barrier barrier_id(%barrier3A_16)
    %mul3A_17 = arith.constant 632 : i32
    %mul3A_18 = arith.muli %arg1, %mul3A_17 : i32
    %mul3A_19 = arith.constant 632 : i32
    %mul3A_20 = arith.muli %arg1, %mul3A_19 : i32
    "tpu.region"() ({
      %run_scoped3A = tpu.sem_alloc : memref<!tpu.dma_semaphore, #tpu.memory_space<semaphore_mem>>
      %dma_start3A = arith.constant 0 : i32
      %dma_start3A_21 = tpu.memref_slice %arg6[%arg0, %mul3A_20, %dma_start3A] : memref<2x10112x128xf32, #tpu.memory_space<hbm>> -> memref<1x632x128xf32, #tpu.memory_space<hbm>>
      %dma_start3A_22 = tpu.memref_squeeze %dma_start3A_21 : memref<1x632x128xf32, #tpu.memory_space<hbm>> -> memref<632x128xf32, #tpu.memory_space<hbm>>
      %dma_start3A_23 = arith.constant 0 : i32
      %dma_start3A_24 = tpu.memref_slice %arg7[%mul3A_18, %dma_start3A_23] : memref<10112x128xf32, #tpu.memory_space<vmem_shared>> -> memref<632x128xf32, #tpu.memory_space<vmem_shared>>
      tpu.enqueue_dma source(%dma_start3A_24 : memref<632x128xf32, #tpu.memory_space<vmem_shared>>) target(%dma_start3A_22 : memref<632x128xf32, #tpu.memory_space<hbm>>) target_semaphore(%run_scoped3A : memref<!tpu.dma_semaphore, #tpu.memory_space<semaphore_mem>>)
      %dma_wait3A = arith.constant 0 : i32
      %dma_wait3A_25 = tpu.memref_slice %arg6[%arg0, %mul3A_20, %dma_wait3A] : memref<2x10112x128xf32, #tpu.memory_space<hbm>> -> memref<1x632x128xf32, #tpu.memory_space<hbm>>
      %dma_wait3A_26 = tpu.memref_squeeze %dma_wait3A_25 : memref<1x632x128xf32, #tpu.memory_space<hbm>> -> memref<632x128xf32, #tpu.memory_space<hbm>>
      %dma_wait3A_27 = arith.constant 0 : i32
      %dma_wait3A_28 = tpu.memref_slice %arg7[%mul3A_18, %dma_wait3A_27] : memref<10112x128xf32, #tpu.memory_space<vmem_shared>> -> memref<632x128xf32, #tpu.memory_space<vmem_shared>>
      tpu.wait_dma2 semaphore(%run_scoped3A : memref<!tpu.dma_semaphore, #tpu.memory_space<semaphore_mem>>) src(%dma_wait3A_28 : memref<632x128xf32, #tpu.memory_space<vmem_shared>>) dst(%dma_wait3A_26 : memref<632x128xf32, #tpu.memory_space<hbm>>)
      tpu.yield
    }) : () -> ()
    return
  }
}

module attributes {stable_mosaic.version = 14 : i64} {
  func.func @_tc_dense_body(%arg0: memref<2x10112x128xf32, #tpu.memory_space<vmem>>, %arg1: memref<10000x128xf32, #tpu.memory_space<vmem>>, %arg2: memref<128x128xf32, #tpu.memory_space<vmem>>, %arg3: memref<1x128xf32, #tpu.memory_space<vmem>>, %arg4: memref<128x128xf32, #tpu.memory_space<vmem>>, %arg5: memref<1x128xf32, #tpu.memory_space<vmem>>, %arg6: memref<1x128xf32, #tpu.memory_space<vmem>>, %arg7: memref<1x128xf32, #tpu.memory_space<vmem>>, %arg8: memref<10000x1xi32, #tpu.memory_space<vmem>>, %arg9: memref<10000x128xf32, #tpu.memory_space<vmem>>, %arg10: memref<128x128xf32, #tpu.memory_space<vmem>>) attributes {dimension_semantics = [], scalar_prefetch = 0 : i64, scratch_operands = 0 : i64, tpu.core_type = #tpu.core_type<tc>} {
    %get3A = arith.constant 0 : index
    %get3A_0 = arith.constant 0 : index
    %get3A_1 = arith.constant 0 : index
    %get3A_2 = vector.load %arg0[%get3A, %get3A_0, %get3A_1] : memref<2x10112x128xf32, #tpu.memory_space<vmem>>, vector<1x10000x128xf32>
    %get3A_3 = vector.shape_cast %get3A_2 : vector<1x10000x128xf32> to vector<10000x128xf32>
    %get3A_4 = arith.constant 1 : index
    %get3A_5 = arith.constant 0 : index
    %get3A_6 = arith.constant 0 : index
    %get3A_7 = vector.load %arg0[%get3A_4, %get3A_5, %get3A_6] : memref<2x10112x128xf32, #tpu.memory_space<vmem>>, vector<1x10000x128xf32>
    %get3A_8 = vector.shape_cast %get3A_7 : vector<1x10000x128xf32> to vector<10000x128xf32>
    %add3A = arith.addf %get3A_3, %get3A_8 : vector<10000x128xf32>
    %get3A_9 = arith.constant 0 : index
    %get3A_10 = arith.constant 0 : index
    %get3A_11 = vector.load %arg1[%get3A_9, %get3A_10] : memref<10000x128xf32, #tpu.memory_space<vmem>>, vector<10000x128xf32>
    %add3A_12 = arith.addf %add3A, %get3A_11 : vector<10000x128xf32>
    %get3A_13 = arith.constant 0 : index
    %get3A_14 = arith.constant 0 : index
    %get3A_15 = vector.load %arg2[%get3A_13, %get3A_14] : memref<128x128xf32, #tpu.memory_space<vmem>>, vector<128x128xf32>
    %dot_general3A = arith.constant dense<0.000000e+00> : vector<10000x128xf32>
    %dot_general3A_16 = tpu.matmul %add3A_12, %get3A_15, %dot_general3A {dimension_numbers = #tpu.dot_dimension_numbers<[1], [0], [0], [1], [0, 0, 1, 1], [], []>, transpose_lhs_hint = false} : vector<10000x128xf32>, vector<128x128xf32>, vector<10000x128xf32> -> vector<10000x128xf32>
    %get3A_17 = arith.constant 0 : index
    %get3A_18 = arith.constant 0 : index
    %get3A_19 = vector.load %arg3[%get3A_17, %get3A_18] : memref<1x128xf32, #tpu.memory_space<vmem>>, vector<1x128xf32>
    %add3A_20 = vector.broadcast %get3A_19 : vector<1x128xf32> to vector<10000x128xf32>
    %add3A_21 = arith.addf %dot_general3A_16, %add3A_20 : vector<10000x128xf32>
    %max3A = arith.constant 0.000000e+00 : f32
    %max3A_22 = vector.broadcast %max3A : f32 to vector<10000x128xf32>
    %max3A_23 = arith.maximumf %add3A_21, %max3A_22 : vector<10000x128xf32>
    %get3A_24 = arith.constant 0 : index
    %get3A_25 = arith.constant 0 : index
    %get3A_26 = vector.load %arg4[%get3A_24, %get3A_25] : memref<128x128xf32, #tpu.memory_space<vmem>>, vector<128x128xf32>
    %dot_general3A_27 = arith.constant dense<0.000000e+00> : vector<10000x128xf32>
    %dot_general3A_28 = tpu.matmul %max3A_23, %get3A_26, %dot_general3A_27 {dimension_numbers = #tpu.dot_dimension_numbers<[1], [0], [0], [1], [0, 0, 1, 1], [], []>, transpose_lhs_hint = false} : vector<10000x128xf32>, vector<128x128xf32>, vector<10000x128xf32> -> vector<10000x128xf32>
    %get3A_29 = arith.constant 0 : index
    %get3A_30 = arith.constant 0 : index
    %get3A_31 = vector.load %arg5[%get3A_29, %get3A_30] : memref<1x128xf32, #tpu.memory_space<vmem>>, vector<1x128xf32>
    %add3A_32 = vector.broadcast %get3A_31 : vector<1x128xf32> to vector<10000x128xf32>
    %add3A_33 = arith.addf %dot_general3A_28, %add3A_32 : vector<10000x128xf32>
    %max3A_34 = arith.constant 0.000000e+00 : f32
    %max3A_35 = vector.broadcast %max3A_34 : f32 to vector<10000x128xf32>
    %max3A_36 = arith.maximumf %add3A_33, %max3A_35 : vector<10000x128xf32>
    %reduce_sum3A = arith.constant dense<0.000000e+00> : vector<128xf32>
    %reduce_sum3A_37 = vector.multi_reduction <add>, %max3A_36, %reduce_sum3A [0] : vector<10000x128xf32> to vector<128xf32>
    %broadcast_in_dim3A = vector.shape_cast %reduce_sum3A_37 : vector<128xf32> to vector<1x128xf32>
    %div3A = arith.constant 1.000000e+04 : f32
    %div3A_38 = vector.broadcast %div3A : f32 to vector<1x128xf32>
    %div3A_39 = arith.divf %broadcast_in_dim3A, %div3A_38 : vector<1x128xf32>
    %sub3A = vector.broadcast %div3A_39 : vector<1x128xf32> to vector<10000x128xf32>
    %sub3A_40 = arith.subf %max3A_36, %sub3A : vector<10000x128xf32>
    %sub3A_41 = vector.broadcast %div3A_39 : vector<1x128xf32> to vector<10000x128xf32>
    %sub3A_42 = arith.subf %max3A_36, %sub3A_41 : vector<10000x128xf32>
    %mul3A = arith.mulf %sub3A_40, %sub3A_42 : vector<10000x128xf32>
    %reduce_sum3A_43 = arith.constant dense<0.000000e+00> : vector<128xf32>
    %reduce_sum3A_44 = vector.multi_reduction <add>, %mul3A, %reduce_sum3A_43 [0] : vector<10000x128xf32> to vector<128xf32>
    %broadcast_in_dim3A_45 = vector.shape_cast %reduce_sum3A_44 : vector<128xf32> to vector<1x128xf32>
    %div3A_46 = arith.constant 1.000000e+04 : f32
    %div3A_47 = vector.broadcast %div3A_46 : f32 to vector<1x128xf32>
    %div3A_48 = arith.divf %broadcast_in_dim3A_45, %div3A_47 : vector<1x128xf32>
    %sub3A_49 = vector.broadcast %div3A_39 : vector<1x128xf32> to vector<10000x128xf32>
    %sub3A_50 = arith.subf %max3A_36, %sub3A_49 : vector<10000x128xf32>
    %add3A_51 = arith.constant 9.99999974E-6 : f32
    %add3A_52 = vector.broadcast %add3A_51 : f32 to vector<1x128xf32>
    %add3A_53 = arith.addf %div3A_48, %add3A_52 : vector<1x128xf32>
    %sqrt3A = math.sqrt %add3A_53 : vector<1x128xf32>
    %div3A_54 = vector.broadcast %sqrt3A : vector<1x128xf32> to vector<10000x128xf32>
    %div3A_55 = arith.divf %sub3A_50, %div3A_54 : vector<10000x128xf32>
    %get3A_56 = arith.constant 0 : index
    %get3A_57 = arith.constant 0 : index
    %get3A_58 = vector.load %arg6[%get3A_56, %get3A_57] : memref<1x128xf32, #tpu.memory_space<vmem>>, vector<1x128xf32>
    %mul3A_59 = vector.broadcast %get3A_58 : vector<1x128xf32> to vector<10000x128xf32>
    %mul3A_60 = arith.mulf %div3A_55, %mul3A_59 : vector<10000x128xf32>
    %get3A_61 = arith.constant 0 : index
    %get3A_62 = arith.constant 0 : index
    %get3A_63 = vector.load %arg7[%get3A_61, %get3A_62] : memref<1x128xf32, #tpu.memory_space<vmem>>, vector<1x128xf32>
    %add3A_64 = vector.broadcast %get3A_63 : vector<1x128xf32> to vector<10000x128xf32>
    %add3A_65 = arith.addf %mul3A_60, %add3A_64 : vector<10000x128xf32>
    %swap3A = arith.constant 0 : index
    %swap3A_66 = arith.constant 0 : index
    %swap3A_67 = vector.load %arg9[%swap3A, %swap3A_66] : memref<10000x128xf32, #tpu.memory_space<vmem>>, vector<10000x128xf32>
    tpu.vector_store %arg9[%swap3A, %swap3A_66], %add3A_65 {strides = array<i32>} : memref<10000x128xf32, #tpu.memory_space<vmem>>, vector<10000x128xf32>,
    %get3A_68 = arith.constant 0 : index
    %get3A_69 = arith.constant 0 : index
    %get3A_70 = vector.load %arg8[%get3A_68, %get3A_69] : memref<10000x1xi32, #tpu.memory_space<vmem>>, vector<10000x1xi32>
    %iota3A = tpu.iota {dimensions = array<i32: 1>} : vector<10000x128xi32>
    %eq3A = vector.broadcast %get3A_70 : vector<10000x1xi32> to vector<10000x128xi32>
    %eq3A_71 = arith.cmpi eq, %eq3A, %iota3A : vector<10000x128xi32>
    %convert_element_type3A = arith.extui %eq3A_71 : vector<10000x128xi1> to vector<10000x128xi32>
    %convert_element_type3A_72 = arith.sitofp %convert_element_type3A : vector<10000x128xi32> to vector<10000x128xf32>
    %dot_general3A_73 = arith.constant dense<0.000000e+00> : vector<128x128xf32>
    %dot_general3A_74 = tpu.matmul %convert_element_type3A_72, %add3A_65, %dot_general3A_73 {dimension_numbers = #tpu.dot_dimension_numbers<[0], [0], [1], [1], [0, 1, 1, 1], [], []>, transpose_lhs_hint = false} : vector<10000x128xf32>, vector<10000x128xf32>, vector<128x128xf32> -> vector<128x128xf32>
    %swap3A_75 = arith.constant 0 : index
    %swap3A_76 = arith.constant 0 : index
    %swap3A_77 = vector.load %arg10[%swap3A_75, %swap3A_76] : memref<128x128xf32, #tpu.memory_space<vmem>>, vector<128x128xf32>
    tpu.vector_store %arg10[%swap3A_75, %swap3A_76], %dot_general3A_74 {strides = array<i32>} : memref<128x128xf32, #tpu.memory_space<vmem>>, vector<128x128xf32>,
    return
  }
}

module attributes {stable_mosaic.version = 14 : i64} {
  func.func @_tc_dense_body(%arg0: memref<2x10112x128xf32, #tpu.memory_space<vmem>>, %arg1: memref<10000x128xf32, #tpu.memory_space<vmem>>, %arg2: memref<128x128xf32, #tpu.memory_space<vmem>>, %arg3: memref<1x128xf32, #tpu.memory_space<vmem>>, %arg4: memref<128x128xf32, #tpu.memory_space<vmem>>, %arg5: memref<1x128xf32, #tpu.memory_space<vmem>>, %arg6: memref<1x128xf32, #tpu.memory_space<vmem>>, %arg7: memref<1x128xf32, #tpu.memory_space<vmem>>, %arg8: memref<10000x1xi32, #tpu.memory_space<vmem>>, %arg9: memref<10000x128xf32, #tpu.memory_space<vmem>>, %arg10: memref<128x128xf32, #tpu.memory_space<vmem>>) attributes {dimension_semantics = [], scalar_prefetch = 0 : i64, scratch_operands = 0 : i64, tpu.core_type = #tpu.core_type<tc>} {
    %get3A = arith.constant 0 : index
    %get3A_0 = arith.constant 0 : index
    %get3A_1 = arith.constant 0 : index
    %get3A_2 = vector.load %arg0[%get3A, %get3A_0, %get3A_1] : memref<2x10112x128xf32, #tpu.memory_space<vmem>>, vector<1x10000x128xf32>
    %get3A_3 = vector.shape_cast %get3A_2 : vector<1x10000x128xf32> to vector<10000x128xf32>
    %get3A_4 = arith.constant 1 : index
    %get3A_5 = arith.constant 0 : index
    %get3A_6 = arith.constant 0 : index
    %get3A_7 = vector.load %arg0[%get3A_4, %get3A_5, %get3A_6] : memref<2x10112x128xf32, #tpu.memory_space<vmem>>, vector<1x10000x128xf32>
    %get3A_8 = vector.shape_cast %get3A_7 : vector<1x10000x128xf32> to vector<10000x128xf32>
    %add3A = arith.addf %get3A_3, %get3A_8 : vector<10000x128xf32>
    %get3A_9 = arith.constant 0 : index
    %get3A_10 = arith.constant 0 : index
    %get3A_11 = vector.load %arg1[%get3A_9, %get3A_10] : memref<10000x128xf32, #tpu.memory_space<vmem>>, vector<10000x128xf32>
    %add3A_12 = arith.addf %add3A, %get3A_11 : vector<10000x128xf32>
    %get3A_13 = arith.constant 0 : index
    %get3A_14 = arith.constant 0 : index
    %get3A_15 = vector.load %arg2[%get3A_13, %get3A_14] : memref<128x128xf32, #tpu.memory_space<vmem>>, vector<128x128xf32>
    %dot_general3A = arith.constant dense<0.000000e+00> : vector<10000x128xf32>
    %dot_general3A_16 = tpu.matmul %add3A_12, %get3A_15, %dot_general3A {dimension_numbers = #tpu.dot_dimension_numbers<[1], [0], [0], [1], [0, 0, 1, 1], [], []>, transpose_lhs_hint = false} : vector<10000x128xf32>, vector<128x128xf32>, vector<10000x128xf32> -> vector<10000x128xf32>
    %get3A_17 = arith.constant 0 : index
    %get3A_18 = arith.constant 0 : index
    %get3A_19 = vector.load %arg3[%get3A_17, %get3A_18] : memref<1x128xf32, #tpu.memory_space<vmem>>, vector<1x128xf32>
    %add3A_20 = vector.broadcast %get3A_19 : vector<1x128xf32> to vector<10000x128xf32>
    %add3A_21 = arith.addf %dot_general3A_16, %add3A_20 : vector<10000x128xf32>
    %max3A = arith.constant 0.000000e+00 : f32
    %max3A_22 = vector.broadcast %max3A : f32 to vector<10000x128xf32>
    %max3A_23 = arith.maximumf %add3A_21, %max3A_22 : vector<10000x128xf32>
    %get3A_24 = arith.constant 0 : index
    %get3A_25 = arith.constant 0 : index
    %get3A_26 = vector.load %arg4[%get3A_24, %get3A_25] : memref<128x128xf32, #tpu.memory_space<vmem>>, vector<128x128xf32>
    %dot_general3A_27 = arith.constant dense<0.000000e+00> : vector<10000x128xf32>
    %dot_general3A_28 = tpu.matmul %max3A_23, %get3A_26, %dot_general3A_27 {dimension_numbers = #tpu.dot_dimension_numbers<[1], [0], [0], [1], [0, 0, 1, 1], [], []>, transpose_lhs_hint = false} : vector<10000x128xf32>, vector<128x128xf32>, vector<10000x128xf32> -> vector<10000x128xf32>
    %get3A_29 = arith.constant 0 : index
    %get3A_30 = arith.constant 0 : index
    %get3A_31 = vector.load %arg5[%get3A_29, %get3A_30] : memref<1x128xf32, #tpu.memory_space<vmem>>, vector<1x128xf32>
    %add3A_32 = vector.broadcast %get3A_31 : vector<1x128xf32> to vector<10000x128xf32>
    %add3A_33 = arith.addf %dot_general3A_28, %add3A_32 : vector<10000x128xf32>
    %max3A_34 = arith.constant 0.000000e+00 : f32
    %max3A_35 = vector.broadcast %max3A_34 : f32 to vector<10000x128xf32>
    %max3A_36 = arith.maximumf %add3A_33, %max3A_35 : vector<10000x128xf32>
    %reduce_sum3A = arith.constant dense<0.000000e+00> : vector<128xf32>
    %reduce_sum3A_37 = vector.multi_reduction <add>, %max3A_36, %reduce_sum3A [0] : vector<10000x128xf32> to vector<128xf32>
    %broadcast_in_dim3A = vector.shape_cast %reduce_sum3A_37 : vector<128xf32> to vector<1x128xf32>
    %div3A = arith.constant 1.000000e+04 : f32
    %div3A_38 = vector.broadcast %div3A : f32 to vector<1x128xf32>
    %div3A_39 = arith.divf %broadcast_in_dim3A, %div3A_38 : vector<1x128xf32>
    %sub3A = vector.broadcast %div3A_39 : vector<1x128xf32> to vector<10000x128xf32>
    %sub3A_40 = arith.subf %max3A_36, %sub3A : vector<10000x128xf32>
    %sub3A_41 = vector.broadcast %div3A_39 : vector<1x128xf32> to vector<10000x128xf32>
    %sub3A_42 = arith.subf %max3A_36, %sub3A_41 : vector<10000x128xf32>
    %mul3A = arith.mulf %sub3A_40, %sub3A_42 : vector<10000x128xf32>
    %reduce_sum3A_43 = arith.constant dense<0.000000e+00> : vector<128xf32>
    %reduce_sum3A_44 = vector.multi_reduction <add>, %mul3A, %reduce_sum3A_43 [0] : vector<10000x128xf32> to vector<128xf32>
    %broadcast_in_dim3A_45 = vector.shape_cast %reduce_sum3A_44 : vector<128xf32> to vector<1x128xf32>
    %div3A_46 = arith.constant 1.000000e+04 : f32
    %div3A_47 = vector.broadcast %div3A_46 : f32 to vector<1x128xf32>
    %div3A_48 = arith.divf %broadcast_in_dim3A_45, %div3A_47 : vector<1x128xf32>
    %sub3A_49 = vector.broadcast %div3A_39 : vector<1x128xf32> to vector<10000x128xf32>
    %sub3A_50 = arith.subf %max3A_36, %sub3A_49 : vector<10000x128xf32>
    %add3A_51 = arith.constant 9.99999974E-6 : f32
    %add3A_52 = vector.broadcast %add3A_51 : f32 to vector<1x128xf32>
    %add3A_53 = arith.addf %div3A_48, %add3A_52 : vector<1x128xf32>
    %sqrt3A = math.sqrt %add3A_53 : vector<1x128xf32>
    %div3A_54 = vector.broadcast %sqrt3A : vector<1x128xf32> to vector<10000x128xf32>
    %div3A_55 = arith.divf %sub3A_50, %div3A_54 : vector<10000x128xf32>
    %get3A_56 = arith.constant 0 : index
    %get3A_57 = arith.constant 0 : index
    %get3A_58 = vector.load %arg6[%get3A_56, %get3A_57] : memref<1x128xf32, #tpu.memory_space<vmem>>, vector<1x128xf32>
    %mul3A_59 = vector.broadcast %get3A_58 : vector<1x128xf32> to vector<10000x128xf32>
    %mul3A_60 = arith.mulf %div3A_55, %mul3A_59 : vector<10000x128xf32>
    %get3A_61 = arith.constant 0 : index
    %get3A_62 = arith.constant 0 : index
    %get3A_63 = vector.load %arg7[%get3A_61, %get3A_62] : memref<1x128xf32, #tpu.memory_space<vmem>>, vector<1x128xf32>
    %add3A_64 = vector.broadcast %get3A_63 : vector<1x128xf32> to vector<10000x128xf32>
    %add3A_65 = arith.addf %mul3A_60, %add3A_64 : vector<10000x128xf32>
    %swap3A = arith.constant 0 : index
    %swap3A_66 = arith.constant 0 : index
    %swap3A_67 = vector.load %arg9[%swap3A, %swap3A_66] : memref<10000x128xf32, #tpu.memory_space<vmem>>, vector<10000x128xf32>
    tpu.vector_store %arg9[%swap3A, %swap3A_66], %add3A_65 {strides = array<i32>} : memref<10000x128xf32, #tpu.memory_space<vmem>>, vector<10000x128xf32>,
    %get3A_68 = arith.constant 0 : index
    %get3A_69 = arith.constant 0 : index
    %get3A_70 = vector.load %arg8[%get3A_68, %get3A_69] : memref<10000x1xi32, #tpu.memory_space<vmem>>, vector<10000x1xi32>
    %iota3A = tpu.iota {dimensions = array<i32: 1>} : vector<10000x128xi32>
    %eq3A = vector.broadcast %get3A_70 : vector<10000x1xi32> to vector<10000x128xi32>
    %eq3A_71 = arith.cmpi eq, %eq3A, %iota3A : vector<10000x128xi32>
    %convert_element_type3A = arith.extui %eq3A_71 : vector<10000x128xi1> to vector<10000x128xi32>
    %convert_element_type3A_72 = arith.sitofp %convert_element_type3A : vector<10000x128xi32> to vector<10000x128xf32>
    %dot_general3A_73 = arith.constant dense<0.000000e+00> : vector<128x128xf32>
    %dot_general3A_74 = tpu.matmul %convert_element_type3A_72, %add3A_65, %dot_general3A_73 {dimension_numbers = #tpu.dot_dimension_numbers<[0], [0], [1], [1], [0, 1, 1, 1], [], []>, transpose_lhs_hint = false} : vector<10000x128xf32>, vector<10000x128xf32>, vector<128x128xf32> -> vector<128x128xf32>
    %swap3A_75 = arith.constant 0 : index
    %swap3A_76 = arith.constant 0 : index
    %swap3A_77 = vector.load %arg10[%swap3A_75, %swap3A_76] : memref<128x128xf32, #tpu.memory_space<vmem>>, vector<128x128xf32>
    tpu.vector_store %arg10[%swap3A_75, %swap3A_76], %dot_general3A_74 {strides = array<i32>} : memref<128x128xf32, #tpu.memory_space<vmem>>, vector<128x128xf32>,
    return
  }
}

</mosaic_0001>

<sc_bundles>
// kernel: kernel.11.cloned.1.call-start
scs
__scs_entry_jumppad:
0x0: {  	(pc) =	sbr.rel $0x88, $3  }
0x1: {  	(tag) =	ssettag $0x0;
	lr =	simm.s32 $0x1  }
0x2: {  	[smem:$0x3F98] =	sst lr;
	_ =	strace $0xD0000000  }
0x3: {  	_ = 	snop  }
0x4: {  	_ = 	snop  }
0x5: {  	_ = 	snop  }
0x6: {  	_ = 	snop  }
0x7: {  	_ = 	snop  }
__scs_overlays_trampoline_lowered:
0x8: {  	[smem:$0x3FA7] =	sst s0  }
0x9: {  	[smem:$0x3FA8] =	sst s1  }
0xa: {  	[smem:$0x3FA9] =	sst s2  }
0xb: {  	[smem:$0x3FAA] =	sst s3  }
0xc: {  	[smem:$0x3FAB] =	sst s4  }
0xd: {  	[smem:$0x3FAC] =	sst s5  }
0xe: {  	[smem:$0x3FAD] =	sst s6  }
0xf: {  	[smem:$0x3FAE] =	sst s7  }
0x10: {  	[smem:$0x3FAF] =	sst s8  }
0x11: {  	[smem:$0x3FB0] =	sst s9;
	s0 =	simm.s32 @!p0 $0x0  }
0x12: {  	s1 =	sld [smem:$0x3F96];
	s0 =	simm.s32 @p0 $0x1  }
0x13: {  	[smem:$0x3FB1] =	sst s0;
	s0 =	simm.s32 @!p1 $0x0  }
0x14: {  	s2 =	sld [smem:$0x3F95];
	s0 =	simm.s32 @p1 $0x1  }
0x15: {  	[smem:$0x3FB2] =	sst s0;
	s0 =	simm.s32 @!p2 $0x0  }
0x16: {  	s3 =	sld [smem:$0x3FDB];
	s0 =	simm.s32 @p2 $0x1  }
0x17: {  	s4 =	simm.s32 $0x1BF5;
	[smem:$0x3FB4] =	sst s0  }
0x18: {  	s0 =	sld [smem:$0x3F97];
	_ =	swait.ge [sflag:s4], $0x0  }
0x19: {  	s7 =	sld [smem:$0x3F98]  }
0x1a: {  	s8 =	sadd.s32 $0xFFFFE003, lr  }
0x1b: {  	s9 =	sadd.s32 $0xFFFFFEF7, lr;
	s5 =	simm.s32 $0xFFFFFFFF;
	p2 =	slt.u32 s8, $0xFFFFF086  }
0x1c: {  	p1 =	slt.u32 s9, $0xF7A;
	s5 =	simm.s32 @!p2 $0x0  }
0x1d: {  	s5 =	simm.s32 @p1 $0x1;
	p0 =	seq.s32 s7, s2  }
0x1e: {  	s7 =	smul.u32 @!p0 $0xF7A, s2;
	p2 =	seq.s32 @!p0 s5, $0x0  }
0x1f: {  	s9 =	smul.u32 $0xF7A, s1;
	s8 =	simm.s32 @!p0 $0x1BF5;
	p2 =	por !p2, p0  }
0x20: {  	[sflag:s8] =	ssyncset.s32 @!p0 $0xFFFFF086;
	s6 =	sadd.s32 @!p0 s3, s7;
	s7 =	simm.s32 @!p0 $0x108  }
0x21: {  	s3 =	sadd.s32 s3, s9;
	s6 =	sadd.s32 @!p0 $0x88, s6;
	s7 =	simm.s32 @p2 $0x1082  }
0x22: {  	[simem:s7], [sflag:s8] =	dma.local @!p0 [hbm:s6], $0xF7A  }
0x23: {  	s9 =	sor.u32 $0xD0000000, s2;
	s6 =	simm.s32 $0x108;
	_ =	swait.ge @!p0 [sflag:s8], $0x0  }
0x24: {  	s3 =	sadd.s32 $0x88, s3;
	s6 =	simm.s32 @!p1 $0x1082;
	[sflag:s4] =	ssyncset.s32 $0xFFFFF086  }
0x25: {  	[simem:s6], [sflag:s4] =	dma.local [hbm:s3], $0xF7A  }
0x26: {  	[smem:$0x3F98] =	sst s1;
	(tag) =	ssettag s2;
	_ =	strace s9  }
0x27: {  	s1 =	sld [smem:$0x3FA8]  }
0x28: {  	s2 =	sld [smem:$0x3FA9]  }
0x29: {  	s4 =	sld [smem:$0x3FAB]  }
0x2a: {  	p0 =	seq.s32 s5, $0x0;
	s5 =	sld [smem:$0x3FAC]  }
0x2b: {  	s6 =	sld [smem:$0x3FAD]  }
0x2c: {  	s7 =	sld [smem:$0x3FAE]  }
0x2d: {  	s3 =	simm.s32 $0x108;
	s8 =	sld [smem:$0x3FAF]  }
0x2e: {  	s3 =	simm.s32 @!p0 $0x1082;
	s9 =	sld [smem:$0x3FB0]  }
0x2f: {  	lr =	sadd.s32 s0, s3;
	s0 =	sld [smem:$0x3FA7]  }
0x30: {  	s3 =	sld [smem:$0x3FAA]  }
0x31: {  	[smem:$0x3FB3] =	sst s10  }
0x32: {  	s10 =	sld [smem:$0x3FB1];
	_ =	sdelay $0x3  }
0x33: {  	p0 =	seq.s32 s10, $0x1;
	s10 =	sld [smem:$0x3FB3];
	_ =	sdelay $0x3  }
0x34: {  	[smem:$0x3FB3] =	sst s10  }
0x35: {  	s10 =	sld [smem:$0x3FB2];
	_ =	sdelay $0x3  }
0x36: {  	p1 =	seq.s32 s10, $0x1;
	s10 =	sld [smem:$0x3FB3];
	_ =	sdelay $0x3  }
0x37: {  	[smem:$0x3FB3] =	sst s10  }
0x38: {  	s10 =	sld [smem:$0x3FB4]  }
0x39: {  	_ = 	snop;
	(pc) =	sbr.ind lr, $3  }
0x3a: {  	_ = 	snop  }
0x3b: {  	_ = 	snop  }
0x3c: {  	p2 =	seq.s32 s10, $0x1;
	s10 =	sld [smem:$0x3FB3]  }
0x3d: {  	_ =	shalt  }
0x3e: {  	_ =	shalt  }
0x3f: {  	_ =	shalt  }
0x40: {  	_ =	shalt  }
0x41: {  	_ =	shalt  }
0x42: {  	_ =	shalt  }
0x43: {  	_ =	shalt  }
0x44: {  	_ =	shalt  }
0x45: {  	_ =	shalt  }
0x46: {  	_ =	shalt  }
0x47: {  	_ =	shalt  }
0x48: {  	_ =	shalt  }
0x49: {  	_ =	shalt  }
0x4a: {  	_ =	shalt  }
0x4b: {  	_ =	shalt  }
0x4c: {  	_ =	shalt  }
0x4d: {  	_ =	shalt  }
0x4e: {  	_ =	shalt  }
0x4f: {  	_ =	shalt  }
0x50: {  	_ =	shalt  }
0x51: {  	_ =	shalt  }
0x52: {  	_ =	shalt  }
0x53: {  	_ =	shalt  }
0x54: {  	_ =	shalt  }
0x55: {  	_ =	shalt  }
0x56: {  	_ =	shalt  }
0x57: {  	_ =	shalt  }
0x58: {  	_ =	shalt  }
0x59: {  	_ =	shalt  }
0x5a: {  	_ =	shalt  }
0x5b: {  	_ =	shalt  }
0x5c: {  	_ =	shalt  }
0x5d: {  	_ =	shalt  }
0x5e: {  	_ =	shalt  }
0x5f: {  	_ =	shalt  }
0x60: {  	_ =	shalt  }
0x61: {  	_ =	shalt  }
0x62: {  	_ =	shalt  }
0x63: {  	_ =	shalt  }
0x64: {  	_ =	shalt  }
0x65: {  	_ =	shalt  }
0x66: {  	_ =	shalt  }
0x67: {  	_ =	shalt  }
0x68: {  	_ =	shalt  }
0x69: {  	_ =	shalt  }
0x6a: {  	_ =	shalt  }
0x6b: {  	_ =	shalt  }
0x6c: {  	_ =	shalt  }
0x6d: {  	_ =	shalt  }
0x6e: {  	_ =	shalt  }
0x6f: {  	_ =	shalt  }
0x70: {  	_ =	shalt  }
0x71: {  	_ =	shalt  }
0x72: {  	_ =	shalt  }
0x73: {  	_ =	shalt  }
0x74: {  	_ =	shalt  }
0x75: {  	_ =	shalt  }
0x76: {  	_ =	shalt  }
0x77: {  	_ =	shalt  }
0x78: {  	_ =	shalt  }
0x79: {  	_ =	shalt  }
0x7a: {  	_ =	shalt  }
0x7b: {  	_ =	shalt  }
0x7c: {  	_ =	shalt  }
0x7d: {  	_ =	shalt  }
0x7e: {  	_ =	shalt  }
0x7f: {  	_ =	shalt  }
0x80: {  	_ =	shalt  }
0x81: {  	_ =	shalt  }
0x82: {  	_ =	shalt  }
0x83: {  	_ =	shalt  }
0x84: {  	_ =	shalt  }
0x85: {  	_ =	shalt  }
0x86: {  	_ =	shalt  }
0x87: {  	_ =	shalt  }
.Lfunc_end0:
.L_simem_size_0:
called_computation.1_lowered:
.L_overlay_start_0:
0x88: {  	s2 =	sld [smem:$0x3FD9]  }
0x89: {  	s3 =	sld [smem:$0x3FFE];
	_ =	sdelay $0x1  }
0x8a: {  	s1 =	srdreg.scid  }
0x8b: {  	s0 =	sand.u32 $0x1, s1  }
0x8c: {  	s16 =	sshll.u32 s0, $0xA;
	s2 =	sadd.s32 s3, s2  }
0x8d: {  	s2 =	sadd.s32 s2, s16  }
0x8e: {  	[smem:$0x3FBF] =	sst s2  }
0x8f: {  	_ = 	snop  }
0x90: {  	(tm) =	ssettm $0x1  }
0x91: {  	s17 =	sld [smem:$0x3FFB];
	_ =	sdelay $0x3  }
0x92: {  	_ =	strace s17  }
0x93: {  	s2 =	sld [smem:$0x3FFC];
	_ =	sdelay $0x3  }
0x94: {  	_ =	strace s2  }
0x95: {  	s2 =	sld [smem:$0x3FFD];
	_ =	sdelay $0x3  }
0x96: {  	_ =	strace s2  }
0x97: {  	_ =	strace $0x8FFFFFFF  }
0x98: {  	s18 =	sld [smem:$0x3FDB];
	_ =	sdelay $0x1  }
0x99: {  	s19 =	simm.s32 $_scs_section_size  }
0x9a: {  	s4 =	simm.s32 $_size__tile_overlayer_lowered;
	s5 =	simm.s32 $_tile_overlayer_lowered  }
0x9b: {  	s22 =	simm.s32 $0x1BFF;
	s21 =	sshll.u32 s5, $0x1;
	s2 =	sadd.s32 s19, s18  }
0x9c: {  	s6 =	simm.s32 $0x0;
	s20 =	sshll.u32 s4, $0x1;
	s4 =	sadd.s32 s21, s2  }
0x9d: {  	[timem:s6], [sflag:s22] =	dma.local [hbm:s4], s20  }
0x9e: {  	_ =	swait.ge [sflag:s22], s20  }
0x9f: {  	s3 =	ssub.s32 $0x0, s20;
	[sflag:s22] =	ssyncset.done $0x0  }
0xa0: {  	[sflag:s22] =	ssyncadd.s32 s3;
	_ =	sdelay $0x1  }
0xa1: {  	s23 =	simm.s32 $0x1B8B  }
0xa2: {  	_ =	swait.ge [sflag:s23], $0x1  }
0xa3: {  	[sflag:s23] =	ssyncset.done $0x0  }
0xa4: {  	s25 =	simm.s32 $0x1B8E;
	s24 =	sld [smem:$0x3FFE];
	[sflag:s23] =	ssyncadd.s32 $0xFFFFFFFF  }
0xa5: {  	s26 =	simm.s32 $execute0_lowered;
	[smem:$0x3FD2] =	sst s25  }
0xa6: {  	s4 =	sshll.u32 s26, $0x1;
	_ =	strace $0x80000049;
	[dreg:$0x1] =	wrdreg $0xFFFFFFFF  }
0xa7: {  	s28 =	simm.s32 $_size_execute0_lowered;
	s2 =	sadd.s32 s2, s4;
	[dreg:$0x0] =	wrdreg $0x0  }
0xa8: {  	s4 =	sshll.u32 s28, $0x1;
	[dreg:$0x2] =	wrdreg s2  }
0xa9: {  	[dreg:$0x3] =	wrdreg s4  }
0xaa: {  	[dreg:$0x4] =	wrdreg $0xC0  }
0xab: {  	_ =	task [dreg:s6], $0x5FFFF  }
0xac: {  	[dreg:$0x1] =	wrdreg $0xFFFFFFFF  }
0xad: {  	[dreg:$0x0] =	wrdreg $0x60  }
0xae: {  	[dreg:$0x2] =	wrdreg s24  }
0xaf: {  	[dreg:$0x3] =	wrdreg $0x0  }
0xb0: {  	[dreg:$0x4] =	wrdreg $0x9  }
0xb1: {  	_ =	task.clear_ibuf [dreg:s6], $0x5FFFF;
	_ =	strace $0x90000049  }
0xb2: {  	s29 =	simm.s32 $0x9;
	_ =	strace $0x8000004B  }
0xb3: {  	_ =	swait.ge [sflag:s29], $0x1  }
0xb4: {  	[sflag:s29] =	ssyncadd.s32 $0xFFFFFFFF  }
0xb5: {  	_ =	strace $0x9000004B  }
0xb6: {  	_ =	sfence  }
0xb7: {  	s30 =	sld [smem:$0x0];
	_ =	sdelay $0x2  }
0xb8: {  	s31 =	sshll.u32 s1, $0xD;
	s1 =	sshrl.u32 s1, $0x2  }
0xb9: {  	s3 =	sand.u32 $0x4000, s31;
	s1 =	sadd.s32 s1, s30  }
0xba: {  	s0 =	sor.u32 s3, s0;
	s1 =	sshll.u32 s1, $0x11  }
0xbb: {  	s0 =	sor.u32 s1, s0  }
0xbc: {  	s0 =	sadd.s32 $0x8F2B, s0  }
0xbd: {  	[sflag:s0] =	ssyncadd.remote.s32 $0x1  }
0xbe: {  	_ =	sfence.sel $0xFFFF  }
0xbf: {  	[dreg:$0x0] =	wrdreg $0xFFFFFFFF;
	(pc) =	sbr.abs _section_cstart, $3  }
0xc0: {  	[dreg:$0x1] =	wrdreg $0xFFFFFFFF  }
0xc1: {  	_ =	task.clear_ibuf [dreg:s6], $0x2FFFF;
	_ =	strace $0x9FFFFFFF  }
0xc2: {  	(tm) =	ssettm $0x7FFFFFFF  }
0xc3: {  	_ =	shalt  }
tec
execute0_lowered:
.L_overlay_start_1:
0x0: {  	(tag) =	ssettag $0x1  }
0x1: {  	s5 =	rddreg [dreg:$0x0]  }
0x2: {  	s0 =	srdreg.scid;
	s2 =	rddreg [dreg:$0x1];
	s3 =	simm.s32 $0x0  }
0x3: {  	s14 =	simm.s32 $0x80;
	s9 =	sand.u32 $0x1, s0;
	s0 =	stileid.u32  }
0x4: {  	s15 =	simm.s32 $0x1A400;
	s16 =	simm.s32 $0x1;
	s7 =	smul.u32 $0x13C00, s0  }
0x5: {  	s17 =	simm.s32 $0x0;
	[smem:$0x7FF] =	sst s3;
	s8 =	smul.u32 $0x13C000, s9  }
0x6: {  	s4 =	sadd.s32 $0x45800, s5;
	s1 =	sshll.u32 s9, $0x4;
	s28 =	smul.u32 $0x4F000, s0  }
0x7: {  	s11 =	ssub.s32 $0x2, s9;
	s31 =	sshll.u32 s0, $0x6;
	p0 =	seq.s32 s9, $0x0  }
0x8: {  	s9 =	simm.s32 $0x68;
	s1 =	sor.u32 s0, s1;
	s29 =	sshrl.u32 s11, $0x1  }
0x9: {  	s9 =	simm.s32 @!p0 $0x35;
	s6 =	smul.u32 $0x680, s1;
	s1 =	rddreg [dreg:$0x2]  }
0xa: {  	_ =	strace $0x8000004A;
	s26 =	sshrl.u32 s7, $0x3;
	s7 =	sadd.s32 s7, s8  }
0xb: {  	s30 =	sshrl.u32 s28, $0x2;
	s11 =	ssub.s32 s11, s29;
	s7 =	sshrl.u32 s7, $0x3  }
0xc: {  	s13 =	sadd.s32 s30, s2;
	s10 =	sadd.s32 s6, s5;
	s6 =	sadd.s32 s26, s5  }
0xd: {  	s11 =	smax.u32 s11, $0x1;
	s12 =	sadd.s32 s7, s5;
	s5 =	sadd.s32 $0x1E000, s6  }
0xe: {  	s6 =	sor.u32 $0x1C02, s31;
	s7 =	sadd.s32 $0x11000, s10;
	s8 =	sadd.s32 $0x4000, s10  }
0xf: {  	s10 =	sadd.s32 $0x6CA00, s12;
	s12 =	sshrl.u32 s13, $0x3;
	s13 =	simm.s32 $0x2  }
.LBB2_1:
0x10: {  	[spmem:s12], [sflag:s6] =	dma.local [hbm:s5], $0x2780  }
0x11: {  	_ =	swait.ge [sflag:s13], $0x2780  }
0x12: {  	[sflag:s13] =	ssyncset.done $0x0  }
0x13: {  	[sflag:s13] =	ssyncadd.s32 $0xFFFFD880  }
0x14: {  	s18 =	simm.s32 $0x13C00;
	[bflag:$0x0] =	sbarrier.arrive $0xFFFF  }
0x15: {  	[tilespmem:s18], [sflag:$0x2] =	stream.linear.gather [hbm4b:s7+s3], $0x3400, $0x38;
	[tilespmem:$0x1E400] =	vst v63  }
0x16: {  	_ =	swait.ge [sflag:s13], $0x3400  }
0x17: {  	[sflag:s13] =	ssyncset.done $0x0  }
0x18: {  	s19 =	simm.s32 $0x17000;
	[sflag:s13] =	ssyncadd.s32 $0xFFFFCC00  }
0x19: {  	[tilespmem:s19], [sflag:$0x2] =	stream.linear.gather [hbm4b:s8+s3], $0x3400, $0x38;
	[tilespmem:$0x1E400] =	vst v63  }
0x1a: {  	_ =	swait.ge [sflag:s13], $0x3400  }
0x1b: {  	[sflag:s13] =	ssyncset.done $0x0  }
0x1c: {  	[sflag:s13] =	ssyncadd.s32 $0xFFFFCC00  }
0x1d: {  	[tilespmem:s15], [sflag:$0x1] =	stream.indirect.gather [hbm4b:s4+s14], $0x80, s18, s14, $0xb8;
	[tilespmem:$0x1E400] =	vst v63  }
0x1e: {  	p0 =	sne.s32 s9, $0x1;
	_ =	swait.ge [sflag:s16], $0x4000  }
.Ltmp0:
0x1f: {  	[sflag:s16] =	ssyncset.done $0x0;
	(pc) =	sbr.rel @!p0 .LBB2_3-.Ltmp0, $4  }
0x20: {  	[sflag:s16] =	ssyncadd.s32 $0xFFFFC000  }
0x21: {  	[spmem:s2] =	stream.indirect.scatter.add.f32 [tilespmem:s15], [sflag:$0x2], $0x80, s19, s14, $0xb8;
	[tilespmem:$0x1E400] =	vst v63  }
0x22: {  	_ =	swait.ge [sflag:s13], $0x4000  }
0x23: {  	s20 =	sadd.s32 $0xFFFFFFFF, s9;
	[sflag:s13] =	ssyncset.done $0x0  }
.LBB2_2:
0x24: {  	[sflag:s13] =	ssyncadd.s32 $0xFFFFC000;
	s18 =	sadd.s32 $0x80, s18;
	s19 =	sadd.s32 $0x80, s19  }
0x25: {  	[tilespmem:s15], [sflag:$0x1] =	stream.indirect.gather [hbm4b:s4+s14], $0x80, s18, s14, $0xb8;
	[tilespmem:$0x1E400] =	vst v63  }
0x26: {  	p0 =	sne.s32 s20, $0x1;
	s20 =	sadd.s32 $0xFFFFFFFF, s20;
	_ =	swait.ge [sflag:s16], $0x4000  }
.Ltmp1:
0x27: {  	[sflag:s16] =	ssyncset.done $0x0;
	(pc) =	sbr.rel @p0 .LBB2_2-.Ltmp1, $4  }
0x28: {  	[sflag:s16] =	ssyncadd.s32 $0xFFFFC000  }
0x29: {  	[spmem:s2] =	stream.indirect.scatter.add.f32 [tilespmem:s15], [sflag:$0x2], $0x80, s19, s14, $0xb8;
	[tilespmem:$0x1E400] =	vst v63  }
0x2a: {  	_ =	swait.ge [sflag:s13], $0x4000  }
0x2b: {  	[sflag:s13] =	ssyncset.done $0x0  }
.LBB2_3:
0x2c: {  	s17 =	sadd.s32 $0x1, s17  }
0x2d: {  	[sflag:s13] =	ssyncadd.s32 $0xFFFFC000;
	p0 =	sne.s32 s17, s11  }
.Ltmp2:
0x2e: {  	[bflag:$0x0] =	sbarrier.arrive $0xFFFF;
	(pc) =	sbr.rel @p0 .LBB2_1-.Ltmp2, $4  }
0x2f: {  	[hbm:s10], [sflag:s6] =	dma.local [spmem:s12], $0x2780  }
0x30: {  	_ =	swait.ge [sflag:s13], $0x2780  }
0x31: {  	[sflag:s13] =	ssyncset.done $0x0  }
0x32: {  	[sflag:s13] =	ssyncadd.s32 $0xFFFFD880  }
0x33: {  	_ =	sfence.sel $0x180000  }
0x34: {  	[bflag:$0x0] =	sbarrier.arrive $0xFFFF  }
0x35: {  	p0 =	sne.s32 s0, $0x0;
	_ =	strace $0x9000004A  }
0x36: {  	s0 =	sadd.s32 @!p0 $0x100000, s1;
	[bflag:$0x2] =	sbarrier.arrive $0xFFFF  }
0x37: {  	[sflag:s0] =	ssyncadd.tile.s32 @!p0 $0x1;
	_ =	shalt  }
.Lfunc_end2:
_tile_overlayer_lowered:
.L_overlay_start_2:
0x38: {  	(tag) =	ssettag $0x2  }
0x39: {  	s0 =	rddreg [dreg:$0x0];
	s2 =	stileid.u32  }
0x3a: {  	s1 =	rddreg [dreg:$0x1];
	p0 =	sne.s32 s2, $0x0  }
0x3b: {  	s3 =	rddreg [dreg:$0x2];
	[bflag:$0x3] =	sbarrier.arrive $0xFFFF;
	s2 =	simm.s32 @!p0 $0x1C02  }
0x3c: {  	[timem:s3], [sflag:s2] =	dma.local @!p0 [hbm:s0], s1  }
0x3d: {  	s0 =	simm.s32 @!p0 $0x2  }
0x3e: {  	_ =	swait.ge @!p0 [sflag:s0], s1  }
0x3f: {  	s1 =	ssub.s32 @!p0 $0x0, s1;
	[sflag:s0] =	ssyncset.done @!p0 $0x0  }
0x40: {  	[sflag:s0] =	ssyncadd.s32 @!p0 s1  }
0x41: {  	[bflag:$0x3] =	sbarrier.arrive $0xFFFF  }
0x42: {  	_ =	shalt  }

// kernel: kernel.14.cloned.1.call-start
scs
__scs_entry_jumppad:
0x0: {  	(pc) =	sbr.rel $0x88, $3  }
0x1: {  	(tag) =	ssettag $0x0;
	lr =	simm.s32 $0x1  }
0x2: {  	[smem:$0x3F98] =	sst lr;
	_ =	strace $0xD0000000  }
0x3: {  	_ = 	snop  }
0x4: {  	_ = 	snop  }
0x5: {  	_ = 	snop  }
0x6: {  	_ = 	snop  }
0x7: {  	_ = 	snop  }
__scs_overlays_trampoline_lowered:
0x8: {  	[smem:$0x3FA7] =	sst s0  }
0x9: {  	[smem:$0x3FA8] =	sst s1  }
0xa: {  	[smem:$0x3FA9] =	sst s2  }
0xb: {  	[smem:$0x3FAA] =	sst s3  }
0xc: {  	[smem:$0x3FAB] =	sst s4  }
0xd: {  	[smem:$0x3FAC] =	sst s5  }
0xe: {  	[smem:$0x3FAD] =	sst s6  }
0xf: {  	[smem:$0x3FAE] =	sst s7  }
0x10: {  	[smem:$0x3FAF] =	sst s8  }
0x11: {  	[smem:$0x3FB0] =	sst s9;
	s0 =	simm.s32 @!p0 $0x0  }
0x12: {  	s1 =	sld [smem:$0x3F96];
	s0 =	simm.s32 @p0 $0x1  }
0x13: {  	[smem:$0x3FB1] =	sst s0;
	s0 =	simm.s32 @!p1 $0x0  }
0x14: {  	s2 =	sld [smem:$0x3F95];
	s0 =	simm.s32 @p1 $0x1  }
0x15: {  	[smem:$0x3FB2] =	sst s0;
	s0 =	simm.s32 @!p2 $0x0  }
0x16: {  	s3 =	sld [smem:$0x3FDB];
	s0 =	simm.s32 @p2 $0x1  }
0x17: {  	s4 =	simm.s32 $0x1BF5;
	[smem:$0x3FB4] =	sst s0  }
0x18: {  	s0 =	sld [smem:$0x3F97];
	_ =	swait.ge [sflag:s4], $0x0  }
0x19: {  	s7 =	sld [smem:$0x3F98]  }
0x1a: {  	s8 =	sadd.s32 $0xFFFFE003, lr  }
0x1b: {  	s9 =	sadd.s32 $0xFFFFFEF7, lr;
	s5 =	simm.s32 $0xFFFFFFFF;
	p2 =	slt.u32 s8, $0xFFFFF086  }
0x1c: {  	p1 =	slt.u32 s9, $0xF7A;
	s5 =	simm.s32 @!p2 $0x0  }
0x1d: {  	s5 =	simm.s32 @p1 $0x1;
	p0 =	seq.s32 s7, s2  }
0x1e: {  	s7 =	smul.u32 @!p0 $0xF7A, s2;
	p2 =	seq.s32 @!p0 s5, $0x0  }
0x1f: {  	s9 =	smul.u32 $0xF7A, s1;
	s8 =	simm.s32 @!p0 $0x1BF5;
	p2 =	por !p2, p0  }
0x20: {  	[sflag:s8] =	ssyncset.s32 @!p0 $0xFFFFF086;
	s6 =	sadd.s32 @!p0 s3, s7;
	s7 =	simm.s32 @!p0 $0x108  }
0x21: {  	s3 =	sadd.s32 s3, s9;
	s6 =	sadd.s32 @!p0 $0x88, s6;
	s7 =	simm.s32 @p2 $0x1082  }
0x22: {  	[simem:s7], [sflag:s8] =	dma.local @!p0 [hbm:s6], $0xF7A  }
0x23: {  	s9 =	sor.u32 $0xD0000000, s2;
	s6 =	simm.s32 $0x108;
	_ =	swait.ge @!p0 [sflag:s8], $0x0  }
0x24: {  	s3 =	sadd.s32 $0x88, s3;
	s6 =	simm.s32 @!p1 $0x1082;
	[sflag:s4] =	ssyncset.s32 $0xFFFFF086  }
0x25: {  	[simem:s6], [sflag:s4] =	dma.local [hbm:s3], $0xF7A  }
0x26: {  	[smem:$0x3F98] =	sst s1;
	(tag) =	ssettag s2;
	_ =	strace s9  }
0x27: {  	s1 =	sld [smem:$0x3FA8]  }
0x28: {  	s2 =	sld [smem:$0x3FA9]  }
0x29: {  	s4 =	sld [smem:$0x3FAB]  }
0x2a: {  	p0 =	seq.s32 s5, $0x0;
	s5 =	sld [smem:$0x3FAC]  }
0x2b: {  	s6 =	sld [smem:$0x3FAD]  }
0x2c: {  	s7 =	sld [smem:$0x3FAE]  }
0x2d: {  	s3 =	simm.s32 $0x108;
	s8 =	sld [smem:$0x3FAF]  }
0x2e: {  	s3 =	simm.s32 @!p0 $0x1082;
	s9 =	sld [smem:$0x3FB0]  }
0x2f: {  	lr =	sadd.s32 s0, s3;
	s0 =	sld [smem:$0x3FA7]  }
0x30: {  	s3 =	sld [smem:$0x3FAA]  }
0x31: {  	[smem:$0x3FB3] =	sst s10  }
0x32: {  	s10 =	sld [smem:$0x3FB1];
	_ =	sdelay $0x3  }
0x33: {  	p0 =	seq.s32 s10, $0x1;
	s10 =	sld [smem:$0x3FB3];
	_ =	sdelay $0x3  }
0x34: {  	[smem:$0x3FB3] =	sst s10  }
0x35: {  	s10 =	sld [smem:$0x3FB2];
	_ =	sdelay $0x3  }
0x36: {  	p1 =	seq.s32 s10, $0x1;
	s10 =	sld [smem:$0x3FB3];
	_ =	sdelay $0x3  }
0x37: {  	[smem:$0x3FB3] =	sst s10  }
0x38: {  	s10 =	sld [smem:$0x3FB4]  }
0x39: {  	_ = 	snop;
	(pc) =	sbr.ind lr, $3  }
0x3a: {  	_ = 	snop  }
0x3b: {  	_ = 	snop  }
0x3c: {  	p2 =	seq.s32 s10, $0x1;
	s10 =	sld [smem:$0x3FB3]  }
0x3d: {  	_ =	shalt  }
0x3e: {  	_ =	shalt  }
0x3f: {  	_ =	shalt  }
0x40: {  	_ =	shalt  }
0x41: {  	_ =	shalt  }
0x42: {  	_ =	shalt  }
0x43: {  	_ =	shalt  }
0x44: {  	_ =	shalt  }
0x45: {  	_ =	shalt  }
0x46: {  	_ =	shalt  }
0x47: {  	_ =	shalt  }
0x48: {  	_ =	shalt  }
0x49: {  	_ =	shalt  }
0x4a: {  	_ =	shalt  }
0x4b: {  	_ =	shalt  }
0x4c: {  	_ =	shalt  }
0x4d: {  	_ =	shalt  }
0x4e: {  	_ =	shalt  }
0x4f: {  	_ =	shalt  }
0x50: {  	_ =	shalt  }
0x51: {  	_ =	shalt  }
0x52: {  	_ =	shalt  }
0x53: {  	_ =	shalt  }
0x54: {  	_ =	shalt  }
0x55: {  	_ =	shalt  }
0x56: {  	_ =	shalt  }
0x57: {  	_ =	shalt  }
0x58: {  	_ =	shalt  }
0x59: {  	_ =	shalt  }
0x5a: {  	_ =	shalt  }
0x5b: {  	_ =	shalt  }
0x5c: {  	_ =	shalt  }
0x5d: {  	_ =	shalt  }
0x5e: {  	_ =	shalt  }
0x5f: {  	_ =	shalt  }
0x60: {  	_ =	shalt  }
0x61: {  	_ =	shalt  }
0x62: {  	_ =	shalt  }
0x63: {  	_ =	shalt  }
0x64: {  	_ =	shalt  }
0x65: {  	_ =	shalt  }
0x66: {  	_ =	shalt  }
0x67: {  	_ =	shalt  }
0x68: {  	_ =	shalt  }
0x69: {  	_ =	shalt  }
0x6a: {  	_ =	shalt  }
0x6b: {  	_ =	shalt  }
0x6c: {  	_ =	shalt  }
0x6d: {  	_ =	shalt  }
0x6e: {  	_ =	shalt  }
0x6f: {  	_ =	shalt  }
0x70: {  	_ =	shalt  }
0x71: {  	_ =	shalt  }
0x72: {  	_ =	shalt  }
0x73: {  	_ =	shalt  }
0x74: {  	_ =	shalt  }
0x75: {  	_ =	shalt  }
0x76: {  	_ =	shalt  }
0x77: {  	_ =	shalt  }
0x78: {  	_ =	shalt  }
0x79: {  	_ =	shalt  }
0x7a: {  	_ =	shalt  }
0x7b: {  	_ =	shalt  }
0x7c: {  	_ =	shalt  }
0x7d: {  	_ =	shalt  }
0x7e: {  	_ =	shalt  }
0x7f: {  	_ =	shalt  }
0x80: {  	_ =	shalt  }
0x81: {  	_ =	shalt  }
0x82: {  	_ =	shalt  }
0x83: {  	_ =	shalt  }
0x84: {  	_ =	shalt  }
0x85: {  	_ =	shalt  }
0x86: {  	_ =	shalt  }
0x87: {  	_ =	shalt  }
.Lfunc_end0:
.L_simem_size_0:
called_computation.2_lowered:
.L_overlay_start_0:
0x88: {  	s2 =	sld [smem:$0x3FD9]  }
0x89: {  	s3 =	sld [smem:$0x3FFE];
	_ =	sdelay $0x1  }
0x8a: {  	s1 =	srdreg.scid  }
0x8b: {  	s0 =	sand.u32 $0x1, s1  }
0x8c: {  	s16 =	sshll.u32 s0, $0xA;
	s2 =	sadd.s32 s3, s2  }
0x8d: {  	s2 =	sadd.s32 s2, s16  }
0x8e: {  	[smem:$0x3FBF] =	sst s2  }
0x8f: {  	_ = 	snop  }
0x90: {  	(tm) =	ssettm $0x1  }
0x91: {  	s17 =	sld [smem:$0x3FFB];
	_ =	sdelay $0x3  }
0x92: {  	_ =	strace s17  }
0x93: {  	s2 =	sld [smem:$0x3FFC];
	_ =	sdelay $0x3  }
0x94: {  	_ =	strace s2  }
0x95: {  	s2 =	sld [smem:$0x3FFD];
	_ =	sdelay $0x3  }
0x96: {  	_ =	strace s2  }
0x97: {  	_ =	strace $0x8FFFFFFF  }
0x98: {  	s18 =	sld [smem:$0x3FDB];
	_ =	sdelay $0x1  }
0x99: {  	s19 =	simm.s32 $_scs_section_size  }
0x9a: {  	s4 =	simm.s32 $_size__tile_overlayer_lowered;
	s5 =	simm.s32 $_tile_overlayer_lowered  }
0x9b: {  	s22 =	simm.s32 $0x1BFF;
	s21 =	sshll.u32 s5, $0x1;
	s2 =	sadd.s32 s19, s18  }
0x9c: {  	s6 =	simm.s32 $0x0;
	s20 =	sshll.u32 s4, $0x1;
	s4 =	sadd.s32 s21, s2  }
0x9d: {  	[timem:s6], [sflag:s22] =	dma.local [hbm:s4], s20  }
0x9e: {  	_ =	swait.ge [sflag:s22], s20  }
0x9f: {  	s3 =	ssub.s32 $0x0, s20;
	[sflag:s22] =	ssyncset.done $0x0  }
0xa0: {  	[sflag:s22] =	ssyncadd.s32 s3;
	_ =	sdelay $0x1  }
0xa1: {  	s23 =	simm.s32 $0x1B8B  }
0xa2: {  	_ =	swait.ge [sflag:s23], $0x1  }
0xa3: {  	[sflag:s23] =	ssyncset.done $0x0  }
0xa4: {  	s25 =	simm.s32 $0x1B8E;
	s24 =	sld [smem:$0x3FFE];
	[sflag:s23] =	ssyncadd.s32 $0xFFFFFFFF  }
0xa5: {  	s26 =	simm.s32 $execute0_lowered;
	[smem:$0x3FD2] =	sst s25  }
0xa6: {  	s4 =	sshll.u32 s26, $0x1;
	_ =	strace $0x8000004C;
	[dreg:$0x1] =	wrdreg $0xFFFFFFFF  }
0xa7: {  	s28 =	simm.s32 $_size_execute0_lowered;
	s2 =	sadd.s32 s2, s4;
	[dreg:$0x0] =	wrdreg $0x0  }
0xa8: {  	s4 =	sshll.u32 s28, $0x1;
	[dreg:$0x2] =	wrdreg s2  }
0xa9: {  	[dreg:$0x3] =	wrdreg s4  }
0xaa: {  	[dreg:$0x4] =	wrdreg $0xC0  }
0xab: {  	_ =	task [dreg:s6], $0x5FFFF  }
0xac: {  	[dreg:$0x1] =	wrdreg $0xFFFFFFFF  }
0xad: {  	[dreg:$0x0] =	wrdreg $0x60  }
0xae: {  	[dreg:$0x2] =	wrdreg s24  }
0xaf: {  	[dreg:$0x3] =	wrdreg $0x0  }
0xb0: {  	[dreg:$0x4] =	wrdreg $0x9  }
0xb1: {  	_ =	task.clear_ibuf [dreg:s6], $0x5FFFF;
	_ =	strace $0x9000004C  }
0xb2: {  	s29 =	simm.s32 $0x9;
	_ =	strace $0x8000004E  }
0xb3: {  	_ =	swait.ge [sflag:s29], $0x1  }
0xb4: {  	[sflag:s29] =	ssyncadd.s32 $0xFFFFFFFF  }
0xb5: {  	_ =	strace $0x9000004E  }
0xb6: {  	_ =	sfence  }
0xb7: {  	s30 =	sld [smem:$0x0];
	_ =	sdelay $0x2  }
0xb8: {  	s31 =	sshll.u32 s1, $0xD;
	s1 =	sshrl.u32 s1, $0x2  }
0xb9: {  	s3 =	sand.u32 $0x4000, s31;
	s1 =	sadd.s32 s1, s30  }
0xba: {  	s0 =	sor.u32 s3, s0;
	s1 =	sshll.u32 s1, $0x11  }
0xbb: {  	s0 =	sor.u32 s1, s0  }
0xbc: {  	s0 =	sadd.s32 $0x8F2B, s0  }
0xbd: {  	[sflag:s0] =	ssyncadd.remote.s32 $0x1  }
0xbe: {  	_ =	sfence.sel $0xFFFF  }
0xbf: {  	[dreg:$0x0] =	wrdreg $0xFFFFFFFF;
	(pc) =	sbr.abs _section_cstart, $3  }
0xc0: {  	[dreg:$0x1] =	wrdreg $0xFFFFFFFF  }
0xc1: {  	_ =	task.clear_ibuf [dreg:s6], $0x2FFFF;
	_ =	strace $0x9FFFFFFF  }
0xc2: {  	(tm) =	ssettm $0x7FFFFFFF  }
0xc3: {  	_ =	shalt  }
tec
execute0_lowered:
.L_overlay_start_1:
0x0: {  	(tag) =	ssettag $0x1  }
0x1: {  	s5 =	rddreg [dreg:$0x0]  }
0x2: {  	s0 =	srdreg.scid;
	s2 =	rddreg [dreg:$0x1];
	s3 =	simm.s32 $0x0  }
0x3: {  	s14 =	simm.s32 $0x80;
	s9 =	sand.u32 $0x1, s0;
	s0 =	stileid.u32  }
0x4: {  	s15 =	simm.s32 $0x1A400;
	s16 =	simm.s32 $0x1;
	s7 =	smul.u32 $0x13C00, s0  }
0x5: {  	s17 =	simm.s32 $0x0;
	[smem:$0x7FF] =	sst s3;
	s8 =	smul.u32 $0x13C000, s9  }
0x6: {  	s4 =	sadd.s32 $0x45800, s5;
	s1 =	sshll.u32 s9, $0x4;
	s28 =	smul.u32 $0x4F000, s0  }
0x7: {  	s11 =	ssub.s32 $0x2, s9;
	s31 =	sshll.u32 s0, $0x6;
	p0 =	seq.s32 s9, $0x0  }
0x8: {  	s9 =	simm.s32 $0x68;
	s1 =	sor.u32 s0, s1;
	s29 =	sshrl.u32 s11, $0x1  }
0x9: {  	s9 =	simm.s32 @!p0 $0x35;
	s6 =	smul.u32 $0x680, s1;
	s1 =	rddreg [dreg:$0x2]  }
0xa: {  	_ =	strace $0x8000004D;
	s26 =	sshrl.u32 s7, $0x3;
	s7 =	sadd.s32 s7, s8  }
0xb: {  	s30 =	sshrl.u32 s28, $0x2;
	s11 =	ssub.s32 s11, s29;
	s7 =	sshrl.u32 s7, $0x3  }
0xc: {  	s13 =	sadd.s32 s30, s2;
	s10 =	sadd.s32 s6, s5;
	s6 =	sadd.s32 s26, s5  }
0xd: {  	s11 =	smax.u32 s11, $0x1;
	s12 =	sadd.s32 s7, s5;
	s5 =	sadd.s32 $0x1E000, s6  }
0xe: {  	s6 =	sor.u32 $0x1C02, s31;
	s7 =	sadd.s32 $0x11000, s10;
	s8 =	sadd.s32 $0x4000, s10  }
0xf: {  	s10 =	sadd.s32 $0x6CA00, s12;
	s12 =	sshrl.u32 s13, $0x3;
	s13 =	simm.s32 $0x2  }
.LBB2_1:
0x10: {  	[spmem:s12], [sflag:s6] =	dma.local [hbm:s5], $0x2780  }
0x11: {  	_ =	swait.ge [sflag:s13], $0x2780  }
0x12: {  	[sflag:s13] =	ssyncset.done $0x0  }
0x13: {  	[sflag:s13] =	ssyncadd.s32 $0xFFFFD880  }
0x14: {  	s18 =	simm.s32 $0x13C00;
	[bflag:$0x0] =	sbarrier.arrive $0xFFFF  }
0x15: {  	[tilespmem:s18], [sflag:$0x2] =	stream.linear.gather [hbm4b:s7+s3], $0x3400, $0x38;
	[tilespmem:$0x1E400] =	vst v63  }
0x16: {  	_ =	swait.ge [sflag:s13], $0x3400  }
0x17: {  	[sflag:s13] =	ssyncset.done $0x0  }
0x18: {  	s19 =	simm.s32 $0x17000;
	[sflag:s13] =	ssyncadd.s32 $0xFFFFCC00  }
0x19: {  	[tilespmem:s19], [sflag:$0x2] =	stream.linear.gather [hbm4b:s8+s3], $0x3400, $0x38;
	[tilespmem:$0x1E400] =	vst v63  }
0x1a: {  	_ =	swait.ge [sflag:s13], $0x3400  }
0x1b: {  	[sflag:s13] =	ssyncset.done $0x0  }
0x1c: {  	[sflag:s13] =	ssyncadd.s32 $0xFFFFCC00  }
0x1d: {  	[tilespmem:s15], [sflag:$0x1] =	stream.indirect.gather [hbm4b:s4+s14], $0x80, s18, s14, $0xb8;
	[tilespmem:$0x1E400] =	vst v63  }
0x1e: {  	p0 =	sne.s32 s9, $0x1;
	_ =	swait.ge [sflag:s16], $0x4000  }
.Ltmp0:
0x1f: {  	[sflag:s16] =	ssyncset.done $0x0;
	(pc) =	sbr.rel @!p0 .LBB2_3-.Ltmp0, $4  }
0x20: {  	[sflag:s16] =	ssyncadd.s32 $0xFFFFC000  }
0x21: {  	[spmem:s2] =	stream.indirect.scatter.add.f32 [tilespmem:s15], [sflag:$0x2], $0x80, s19, s14, $0xb8;
	[tilespmem:$0x1E400] =	vst v63  }
0x22: {  	_ =	swait.ge [sflag:s13], $0x4000  }
0x23: {  	s20 =	sadd.s32 $0xFFFFFFFF, s9;
	[sflag:s13] =	ssyncset.done $0x0  }
.LBB2_2:
0x24: {  	[sflag:s13] =	ssyncadd.s32 $0xFFFFC000;
	s18 =	sadd.s32 $0x80, s18;
	s19 =	sadd.s32 $0x80, s19  }
0x25: {  	[tilespmem:s15], [sflag:$0x1] =	stream.indirect.gather [hbm4b:s4+s14], $0x80, s18, s14, $0xb8;
	[tilespmem:$0x1E400] =	vst v63  }
0x26: {  	p0 =	sne.s32 s20, $0x1;
	s20 =	sadd.s32 $0xFFFFFFFF, s20;
	_ =	swait.ge [sflag:s16], $0x4000  }
.Ltmp1:
0x27: {  	[sflag:s16] =	ssyncset.done $0x0;
	(pc) =	sbr.rel @p0 .LBB2_2-.Ltmp1, $4  }
0x28: {  	[sflag:s16] =	ssyncadd.s32 $0xFFFFC000  }
0x29: {  	[spmem:s2] =	stream.indirect.scatter.add.f32 [tilespmem:s15], [sflag:$0x2], $0x80, s19, s14, $0xb8;
	[tilespmem:$0x1E400] =	vst v63  }
0x2a: {  	_ =	swait.ge [sflag:s13], $0x4000  }
0x2b: {  	[sflag:s13] =	ssyncset.done $0x0  }
.LBB2_3:
0x2c: {  	s17 =	sadd.s32 $0x1, s17  }
0x2d: {  	[sflag:s13] =	ssyncadd.s32 $0xFFFFC000;
	p0 =	sne.s32 s17, s11  }
.Ltmp2:
0x2e: {  	[bflag:$0x0] =	sbarrier.arrive $0xFFFF;
	(pc) =	sbr.rel @p0 .LBB2_1-.Ltmp2, $4  }
0x2f: {  	[hbm:s10], [sflag:s6] =	dma.local [spmem:s12], $0x2780  }
0x30: {  	_ =	swait.ge [sflag:s13], $0x2780  }
0x31: {  	[sflag:s13] =	ssyncset.done $0x0  }
0x32: {  	[sflag:s13] =	ssyncadd.s32 $0xFFFFD880  }
0x33: {  	_ =	sfence.sel $0x180000  }
0x34: {  	[bflag:$0x0] =	sbarrier.arrive $0xFFFF  }
0x35: {  	p0 =	sne.s32 s0, $0x0;
	_ =	strace $0x9000004D  }
0x36: {  	s0 =	sadd.s32 @!p0 $0x100000, s1;
	[bflag:$0x2] =	sbarrier.arrive $0xFFFF  }
0x37: {  	[sflag:s0] =	ssyncadd.tile.s32 @!p0 $0x1;
	_ =	shalt  }
.Lfunc_end2:
_tile_overlayer_lowered:
.L_overlay_start_2:
0x38: {  	(tag) =	ssettag $0x2  }
0x39: {  	s0 =	rddreg [dreg:$0x0];
	s2 =	stileid.u32  }
0x3a: {  	s1 =	rddreg [dreg:$0x1];
	p0 =	sne.s32 s2, $0x0  }
0x3b: {  	s3 =	rddreg [dreg:$0x2];
	[bflag:$0x3] =	sbarrier.arrive $0xFFFF;
	s2 =	simm.s32 @!p0 $0x1C02  }
0x3c: {  	[timem:s3], [sflag:s2] =	dma.local @!p0 [hbm:s0], s1  }
0x3d: {  	s0 =	simm.s32 @!p0 $0x2  }
0x3e: {  	_ =	swait.ge @!p0 [sflag:s0], s1  }
0x3f: {  	s1 =	ssub.s32 @!p0 $0x0, s1;
	[sflag:s0] =	ssyncset.done @!p0 $0x0  }
0x40: {  	[sflag:s0] =	ssyncadd.s32 @!p0 s1  }
0x41: {  	[bflag:$0x3] =	sbarrier.arrive $0xFFFF  }
0x42: {  	_ =	shalt  }

// kernel: kernel.8.cloned.1.call-start
scs
__scs_entry_jumppad:
0x0: {  	(pc) =	sbr.rel $0x88, $3  }
0x1: {  	(tag) =	ssettag $0x0;
	lr =	simm.s32 $0x1  }
0x2: {  	[smem:$0x3F98] =	sst lr;
	_ =	strace $0xD0000000  }
0x3: {  	_ = 	snop  }
0x4: {  	_ = 	snop  }
0x5: {  	_ = 	snop  }
0x6: {  	_ = 	snop  }
0x7: {  	_ = 	snop  }
__scs_overlays_trampoline_lowered:
0x8: {  	[smem:$0x3FA7] =	sst s0  }
0x9: {  	[smem:$0x3FA8] =	sst s1  }
0xa: {  	[smem:$0x3FA9] =	sst s2  }
0xb: {  	[smem:$0x3FAA] =	sst s3  }
0xc: {  	[smem:$0x3FAB] =	sst s4  }
0xd: {  	[smem:$0x3FAC] =	sst s5  }
0xe: {  	[smem:$0x3FAD] =	sst s6  }
0xf: {  	[smem:$0x3FAE] =	sst s7  }
0x10: {  	[smem:$0x3FAF] =	sst s8  }
0x11: {  	[smem:$0x3FB0] =	sst s9;
	s0 =	simm.s32 @!p0 $0x0  }
0x12: {  	s1 =	sld [smem:$0x3F96];
	s0 =	simm.s32 @p0 $0x1  }
0x13: {  	[smem:$0x3FB1] =	sst s0;
	s0 =	simm.s32 @!p1 $0x0  }
0x14: {  	s2 =	sld [smem:$0x3F95];
	s0 =	simm.s32 @p1 $0x1  }
0x15: {  	[smem:$0x3FB2] =	sst s0;
	s0 =	simm.s32 @!p2 $0x0  }
0x16: {  	s3 =	sld [smem:$0x3FDB];
	s0 =	simm.s32 @p2 $0x1  }
0x17: {  	s4 =	simm.s32 $0x1BF5;
	[smem:$0x3FB4] =	sst s0  }
0x18: {  	s0 =	sld [smem:$0x3F97];
	_ =	swait.ge [sflag:s4], $0x0  }
0x19: {  	s7 =	sld [smem:$0x3F98]  }
0x1a: {  	s8 =	sadd.s32 $0xFFFFE003, lr  }
0x1b: {  	s9 =	sadd.s32 $0xFFFFFEF7, lr;
	s5 =	simm.s32 $0xFFFFFFFF;
	p2 =	slt.u32 s8, $0xFFFFF086  }
0x1c: {  	p1 =	slt.u32 s9, $0xF7A;
	s5 =	simm.s32 @!p2 $0x0  }
0x1d: {  	s5 =	simm.s32 @p1 $0x1;
	p0 =	seq.s32 s7, s2  }
0x1e: {  	s7 =	smul.u32 @!p0 $0xF7A, s2;
	p2 =	seq.s32 @!p0 s5, $0x0  }
0x1f: {  	s9 =	smul.u32 $0xF7A, s1;
	s8 =	simm.s32 @!p0 $0x1BF5;
	p2 =	por !p2, p0  }
0x20: {  	[sflag:s8] =	ssyncset.s32 @!p0 $0xFFFFF086;
	s6 =	sadd.s32 @!p0 s3, s7;
	s7 =	simm.s32 @!p0 $0x108  }
0x21: {  	s3 =	sadd.s32 s3, s9;
	s6 =	sadd.s32 @!p0 $0x88, s6;
	s7 =	simm.s32 @p2 $0x1082  }
0x22: {  	[simem:s7], [sflag:s8] =	dma.local @!p0 [hbm:s6], $0xF7A  }
0x23: {  	s9 =	sor.u32 $0xD0000000, s2;
	s6 =	simm.s32 $0x108;
	_ =	swait.ge @!p0 [sflag:s8], $0x0  }
0x24: {  	s3 =	sadd.s32 $0x88, s3;
	s6 =	simm.s32 @!p1 $0x1082;
	[sflag:s4] =	ssyncset.s32 $0xFFFFF086  }
0x25: {  	[simem:s6], [sflag:s4] =	dma.local [hbm:s3], $0xF7A  }
0x26: {  	[smem:$0x3F98] =	sst s1;
	(tag) =	ssettag s2;
	_ =	strace s9  }
0x27: {  	s1 =	sld [smem:$0x3FA8]  }
0x28: {  	s2 =	sld [smem:$0x3FA9]  }
0x29: {  	s4 =	sld [smem:$0x3FAB]  }
0x2a: {  	p0 =	seq.s32 s5, $0x0;
	s5 =	sld [smem:$0x3FAC]  }
0x2b: {  	s6 =	sld [smem:$0x3FAD]  }
0x2c: {  	s7 =	sld [smem:$0x3FAE]  }
0x2d: {  	s3 =	simm.s32 $0x108;
	s8 =	sld [smem:$0x3FAF]  }
0x2e: {  	s3 =	simm.s32 @!p0 $0x1082;
	s9 =	sld [smem:$0x3FB0]  }
0x2f: {  	lr =	sadd.s32 s0, s3;
	s0 =	sld [smem:$0x3FA7]  }
0x30: {  	s3 =	sld [smem:$0x3FAA]  }
0x31: {  	[smem:$0x3FB3] =	sst s10  }
0x32: {  	s10 =	sld [smem:$0x3FB1];
	_ =	sdelay $0x3  }
0x33: {  	p0 =	seq.s32 s10, $0x1;
	s10 =	sld [smem:$0x3FB3];
	_ =	sdelay $0x3  }
0x34: {  	[smem:$0x3FB3] =	sst s10  }
0x35: {  	s10 =	sld [smem:$0x3FB2];
	_ =	sdelay $0x3  }
0x36: {  	p1 =	seq.s32 s10, $0x1;
	s10 =	sld [smem:$0x3FB3];
	_ =	sdelay $0x3  }
0x37: {  	[smem:$0x3FB3] =	sst s10  }
0x38: {  	s10 =	sld [smem:$0x3FB4]  }
0x39: {  	_ = 	snop;
	(pc) =	sbr.ind lr, $3  }
0x3a: {  	_ = 	snop  }
0x3b: {  	_ = 	snop  }
0x3c: {  	p2 =	seq.s32 s10, $0x1;
	s10 =	sld [smem:$0x3FB3]  }
0x3d: {  	_ =	shalt  }
0x3e: {  	_ =	shalt  }
0x3f: {  	_ =	shalt  }
0x40: {  	_ =	shalt  }
0x41: {  	_ =	shalt  }
0x42: {  	_ =	shalt  }
0x43: {  	_ =	shalt  }
0x44: {  	_ =	shalt  }
0x45: {  	_ =	shalt  }
0x46: {  	_ =	shalt  }
0x47: {  	_ =	shalt  }
0x48: {  	_ =	shalt  }
0x49: {  	_ =	shalt  }
0x4a: {  	_ =	shalt  }
0x4b: {  	_ =	shalt  }
0x4c: {  	_ =	shalt  }
0x4d: {  	_ =	shalt  }
0x4e: {  	_ =	shalt  }
0x4f: {  	_ =	shalt  }
0x50: {  	_ =	shalt  }
0x51: {  	_ =	shalt  }
0x52: {  	_ =	shalt  }
0x53: {  	_ =	shalt  }
0x54: {  	_ =	shalt  }
0x55: {  	_ =	shalt  }
0x56: {  	_ =	shalt  }
0x57: {  	_ =	shalt  }
0x58: {  	_ =	shalt  }
0x59: {  	_ =	shalt  }
0x5a: {  	_ =	shalt  }
0x5b: {  	_ =	shalt  }
0x5c: {  	_ =	shalt  }
0x5d: {  	_ =	shalt  }
0x5e: {  	_ =	shalt  }
0x5f: {  	_ =	shalt  }
0x60: {  	_ =	shalt  }
0x61: {  	_ =	shalt  }
0x62: {  	_ =	shalt  }
0x63: {  	_ =	shalt  }
0x64: {  	_ =	shalt  }
0x65: {  	_ =	shalt  }
0x66: {  	_ =	shalt  }
0x67: {  	_ =	shalt  }
0x68: {  	_ =	shalt  }
0x69: {  	_ =	shalt  }
0x6a: {  	_ =	shalt  }
0x6b: {  	_ =	shalt  }
0x6c: {  	_ =	shalt  }
0x6d: {  	_ =	shalt  }
0x6e: {  	_ =	shalt  }
0x6f: {  	_ =	shalt  }
0x70: {  	_ =	shalt  }
0x71: {  	_ =	shalt  }
0x72: {  	_ =	shalt  }
0x73: {  	_ =	shalt  }
0x74: {  	_ =	shalt  }
0x75: {  	_ =	shalt  }
0x76: {  	_ =	shalt  }
0x77: {  	_ =	shalt  }
0x78: {  	_ =	shalt  }
0x79: {  	_ =	shalt  }
0x7a: {  	_ =	shalt  }
0x7b: {  	_ =	shalt  }
0x7c: {  	_ =	shalt  }
0x7d: {  	_ =	shalt  }
0x7e: {  	_ =	shalt  }
0x7f: {  	_ =	shalt  }
0x80: {  	_ =	shalt  }
0x81: {  	_ =	shalt  }
0x82: {  	_ =	shalt  }
0x83: {  	_ =	shalt  }
0x84: {  	_ =	shalt  }
0x85: {  	_ =	shalt  }
0x86: {  	_ =	shalt  }
0x87: {  	_ =	shalt  }
.Lfunc_end0:
.L_simem_size_0:
called_computation_lowered:
.L_overlay_start_0:
0x88: {  	s2 =	sld [smem:$0x3FD9]  }
0x89: {  	s3 =	sld [smem:$0x3FFE];
	_ =	sdelay $0x1  }
0x8a: {  	s1 =	srdreg.scid  }
0x8b: {  	s0 =	sand.u32 $0x1, s1  }
0x8c: {  	s17 =	sshll.u32 s0, $0xA;
	s2 =	sadd.s32 s3, s2  }
0x8d: {  	s2 =	sadd.s32 s2, s17  }
0x8e: {  	[smem:$0x3FBF] =	sst s2  }
0x8f: {  	_ = 	snop  }
0x90: {  	s2 =	sld [smem:$0x3FC9];
	(tm) =	ssettm $0x1  }
0x91: {  	s18 =	sld [smem:$0x3FFB];
	_ =	sdelay $0x3  }
0x92: {  	_ =	strace s18  }
0x93: {  	s3 =	sld [smem:$0x3FFC];
	_ =	sdelay $0x3  }
0x94: {  	_ =	strace s3  }
0x95: {  	s3 =	sld [smem:$0x3FFD];
	_ =	sdelay $0x3  }
0x96: {  	_ =	strace s3  }
0x97: {  	_ =	strace $0x8FFFFFFF  }
0x98: {  	s19 =	sld [smem:$0x3FDB];
	_ =	sdelay $0x1  }
0x99: {  	s4 =	simm.s32 $_scs_section_size  }
0x9a: {  	s5 =	simm.s32 $_size__tile_overlayer_lowered;
	s6 =	simm.s32 $_tile_overlayer_lowered  }
0x9b: {  	s22 =	simm.s32 $0x1BFF;
	s21 =	sshll.u32 s6, $0x1;
	s3 =	sadd.s32 s4, s19  }
0x9c: {  	s7 =	simm.s32 $0x0;
	s20 =	sshll.u32 s5, $0x1;
	s5 =	sadd.s32 s21, s3  }
0x9d: {  	[timem:s7], [sflag:s22] =	dma.local [hbm:s5], s20  }
0x9e: {  	_ =	swait.ge [sflag:s22], s20  }
0x9f: {  	s4 =	ssub.s32 $0x0, s20;
	[sflag:s22] =	ssyncset.done $0x0  }
0xa0: {  	[sflag:s22] =	ssyncadd.s32 s4;
	_ =	sdelay $0x1  }
0xa1: {  	s23 =	simm.s32 $0x1B8B  }
0xa2: {  	_ =	swait.ge [sflag:s23], $0x1  }
0xa3: {  	[sflag:s23] =	ssyncset.done $0x0  }
0xa4: {  	s25 =	simm.s32 $0x1B8E;
	s24 =	sld [smem:$0x3FFE];
	[sflag:s23] =	ssyncadd.s32 $0xFFFFFFFF  }
0xa5: {  	s26 =	simm.s32 $execute0_lowered;
	[smem:$0x3FD2] =	sst s25  }
0xa6: {  	s5 =	sshll.u32 s26, $0x1;
	_ =	strace $0x80000046;
	[dreg:$0x1] =	wrdreg $0xFFFFFFFF  }
0xa7: {  	s28 =	simm.s32 $_size_execute0_lowered;
	s3 =	sadd.s32 s3, s5;
	[dreg:$0x0] =	wrdreg $0x0  }
0xa8: {  	s5 =	sshll.u32 s28, $0x1;
	[dreg:$0x2] =	wrdreg s3  }
0xa9: {  	[dreg:$0x3] =	wrdreg s5  }
0xaa: {  	[dreg:$0x4] =	wrdreg $0xC0  }
0xab: {  	_ =	task [dreg:s7], $0x5FFFF  }
0xac: {  	[dreg:$0x1] =	wrdreg $0xFFFFFFFF  }
0xad: {  	[dreg:$0x0] =	wrdreg $0x60  }
0xae: {  	[dreg:$0x2] =	wrdreg s2  }
0xaf: {  	[dreg:$0x3] =	wrdreg s24  }
0xb0: {  	[dreg:$0x4] =	wrdreg $0x0  }
0xb1: {  	[dreg:$0x5] =	wrdreg $0x9  }
0xb2: {  	_ =	task.clear_ibuf [dreg:s7], $0x6FFFF;
	_ =	strace $0x90000046  }
0xb3: {  	s29 =	simm.s32 $0x9;
	_ =	strace $0x80000048  }
0xb4: {  	_ =	swait.ge [sflag:s29], $0x1  }
0xb5: {  	[sflag:s29] =	ssyncadd.s32 $0xFFFFFFFF  }
0xb6: {  	_ =	strace $0x90000048  }
0xb7: {  	_ =	sfence  }
0xb8: {  	s30 =	sld [smem:$0x0];
	_ =	sdelay $0x2  }
0xb9: {  	s31 =	sshll.u32 s1, $0xD;
	s1 =	sshrl.u32 s1, $0x2  }
0xba: {  	s3 =	sand.u32 $0x4000, s31;
	s1 =	sadd.s32 s1, s30  }
0xbb: {  	s0 =	sor.u32 s3, s0;
	s1 =	sshll.u32 s1, $0x11  }
0xbc: {  	s0 =	sor.u32 s1, s0  }
0xbd: {  	s0 =	sadd.s32 $0x8F2B, s0  }
0xbe: {  	[sflag:s0] =	ssyncadd.remote.s32 $0x1  }
0xbf: {  	_ =	sfence.sel $0xFFFF  }
0xc0: {  	[dreg:$0x0] =	wrdreg $0xFFFFFFFF;
	(pc) =	sbr.abs _section_cstart, $3  }
0xc1: {  	[dreg:$0x1] =	wrdreg $0xFFFFFFFF  }
0xc2: {  	_ =	task.clear_ibuf [dreg:s7], $0x2FFFF;
	_ =	strace $0x9FFFFFFF  }
0xc3: {  	(tm) =	ssettm $0x7FFFFFFF  }
tec
execute0_lowered:
.L_overlay_start_1:
0x0: {  	(tag) =	ssettag $0x1  }
0x1: {  	s1 =	rddreg [dreg:$0x0]  }
0x2: {  	s5 =	rddreg [dreg:$0x1]  }
0x3: {  	s0 =	srdreg.scid;
	s3 =	rddreg [dreg:$0x2]  }
0x4: {  	s4 =	simm.s32 $0x0;
	s9 =	sand.u32 $0x1, s0;
	s0 =	stileid.u32  }
0x5: {  	s14 =	simm.s32 $0x80;
	s15 =	simm.s32 $0x1A400;
	s7 =	smul.u32 $0x13C00, s0  }
0x6: {  	s16 =	simm.s32 $0x1;
	s17 =	simm.s32 $0x0;
	s8 =	smul.u32 $0x13C000, s9  }
0x7: {  	[smem:$0x7FF] =	sst s4;
	s2 =	sshll.u32 s9, $0x4;
	s28 =	smul.u32 $0x4F000, s0  }
0x8: {  	s11 =	ssub.s32 $0x2, s9;
	s31 =	sshll.u32 s0, $0x6;
	p0 =	seq.s32 s9, $0x0  }
0x9: {  	s9 =	simm.s32 $0x68;
	s2 =	sor.u32 s0, s2;
	s29 =	sshrl.u32 s11, $0x1  }
0xa: {  	s9 =	simm.s32 @!p0 $0x35;
	s6 =	smul.u32 $0x680, s2;
	s2 =	rddreg [dreg:$0x3]  }
0xb: {  	_ =	strace $0x80000047;
	s26 =	sshrl.u32 s7, $0x3;
	s7 =	sadd.s32 s7, s8  }
0xc: {  	s30 =	sshrl.u32 s28, $0x2;
	s11 =	ssub.s32 s11, s29;
	s7 =	sshrl.u32 s7, $0x3  }
0xd: {  	s13 =	sadd.s32 s30, s3;
	s10 =	sadd.s32 s6, s5;
	s6 =	sadd.s32 s26, s5  }
0xe: {  	s11 =	smax.u32 s11, $0x1;
	s12 =	sadd.s32 s7, s5;
	s5 =	sadd.s32 $0x1E000, s6  }
0xf: {  	s6 =	sor.u32 $0x1C02, s31;
	s7 =	sadd.s32 $0x11000, s10;
	s8 =	sadd.s32 $0x4000, s10  }
0x10: {  	s10 =	sadd.s32 $0x45800, s12;
	s12 =	sshrl.u32 s13, $0x3;
	s13 =	simm.s32 $0x2  }
.LBB2_1:
0x11: {  	[spmem:s12], [sflag:s6] =	dma.local [hbm:s5], $0x2780  }
0x12: {  	_ =	swait.ge [sflag:s13], $0x2780  }
0x13: {  	[sflag:s13] =	ssyncset.done $0x0  }
0x14: {  	[sflag:s13] =	ssyncadd.s32 $0xFFFFD880  }
0x15: {  	s18 =	simm.s32 $0x13C00;
	[bflag:$0x0] =	sbarrier.arrive $0xFFFF  }
0x16: {  	[tilespmem:s18], [sflag:$0x2] =	stream.linear.gather [hbm4b:s7+s4], $0x3400, $0x38;
	[tilespmem:$0x1E400] =	vst v63  }
0x17: {  	_ =	swait.ge [sflag:s13], $0x3400  }
0x18: {  	[sflag:s13] =	ssyncset.done $0x0  }
0x19: {  	s19 =	simm.s32 $0x17000;
	[sflag:s13] =	ssyncadd.s32 $0xFFFFCC00  }
0x1a: {  	[tilespmem:s19], [sflag:$0x2] =	stream.linear.gather [hbm4b:s8+s4], $0x3400, $0x38;
	[tilespmem:$0x1E400] =	vst v63  }
0x1b: {  	_ =	swait.ge [sflag:s13], $0x3400  }
0x1c: {  	[sflag:s13] =	ssyncset.done $0x0  }
0x1d: {  	[sflag:s13] =	ssyncadd.s32 $0xFFFFCC00  }
0x1e: {  	[tilespmem:s15], [sflag:$0x1] =	stream.indirect.gather [hbm4b:s1+s14], $0x80, s18, s14, $0xb8;
	[tilespmem:$0x1E400] =	vst v63  }
0x1f: {  	p0 =	sne.s32 s9, $0x1;
	_ =	swait.ge [sflag:s16], $0x4000  }
.Ltmp0:
0x20: {  	[sflag:s16] =	ssyncset.done $0x0;
	(pc) =	sbr.rel @!p0 .LBB2_3-.Ltmp0, $4  }
0x21: {  	[sflag:s16] =	ssyncadd.s32 $0xFFFFC000  }
0x22: {  	[spmem:s3] =	stream.indirect.scatter.add.f32 [tilespmem:s15], [sflag:$0x2], $0x80, s19, s14, $0xb8;
	[tilespmem:$0x1E400] =	vst v63  }
0x23: {  	_ =	swait.ge [sflag:s13], $0x4000  }
0x24: {  	s20 =	sadd.s32 $0xFFFFFFFF, s9;
	[sflag:s13] =	ssyncset.done $0x0  }
.LBB2_2:
0x25: {  	[sflag:s13] =	ssyncadd.s32 $0xFFFFC000;
	s18 =	sadd.s32 $0x80, s18;
	s19 =	sadd.s32 $0x80, s19  }
0x26: {  	[tilespmem:s15], [sflag:$0x1] =	stream.indirect.gather [hbm4b:s1+s14], $0x80, s18, s14, $0xb8;
	[tilespmem:$0x1E400] =	vst v63  }
0x27: {  	p0 =	sne.s32 s20, $0x1;
	s20 =	sadd.s32 $0xFFFFFFFF, s20;
	_ =	swait.ge [sflag:s16], $0x4000  }
.Ltmp1:
0x28: {  	[sflag:s16] =	ssyncset.done $0x0;
	(pc) =	sbr.rel @p0 .LBB2_2-.Ltmp1, $4  }
0x29: {  	[sflag:s16] =	ssyncadd.s32 $0xFFFFC000  }
0x2a: {  	[spmem:s3] =	stream.indirect.scatter.add.f32 [tilespmem:s15], [sflag:$0x2], $0x80, s19, s14, $0xb8;
	[tilespmem:$0x1E400] =	vst v63  }
0x2b: {  	_ =	swait.ge [sflag:s13], $0x4000  }
0x2c: {  	[sflag:s13] =	ssyncset.done $0x0  }
.LBB2_3:
0x2d: {  	s17 =	sadd.s32 $0x1, s17  }
0x2e: {  	[sflag:s13] =	ssyncadd.s32 $0xFFFFC000;
	p0 =	sne.s32 s17, s11  }
.Ltmp2:
0x2f: {  	[bflag:$0x0] =	sbarrier.arrive $0xFFFF;
	(pc) =	sbr.rel @p0 .LBB2_1-.Ltmp2, $4  }
0x30: {  	[hbm:s10], [sflag:s6] =	dma.local [spmem:s12], $0x2780  }
0x31: {  	_ =	swait.ge [sflag:s13], $0x2780  }
0x32: {  	[sflag:s13] =	ssyncset.done $0x0  }
0x33: {  	[sflag:s13] =	ssyncadd.s32 $0xFFFFD880  }
0x34: {  	_ =	sfence.sel $0x180000  }
0x35: {  	[bflag:$0x0] =	sbarrier.arrive $0xFFFF  }
0x36: {  	p0 =	sne.s32 s0, $0x0;
	_ =	strace $0x90000047  }
0x37: {  	s0 =	sadd.s32 @!p0 $0x100000, s2;
	[bflag:$0x2] =	sbarrier.arrive $0xFFFF  }
0x38: {  	[sflag:s0] =	ssyncadd.tile.s32 @!p0 $0x1;
	_ =	shalt  }
.Lfunc_end2:
_tile_overlayer_lowered:
.L_overlay_start_2:
0x39: {  	(tag) =	ssettag $0x2  }
0x3a: {  	s0 =	rddreg [dreg:$0x0];
	s2 =	stileid.u32  }
0x3b: {  	s1 =	rddreg [dreg:$0x1];
	p0 =	sne.s32 s2, $0x0  }
0x3c: {  	s3 =	rddreg [dreg:$0x2];
	[bflag:$0x3] =	sbarrier.arrive $0xFFFF;
	s2 =	simm.s32 @!p0 $0x1C02  }
0x3d: {  	[timem:s3], [sflag:s2] =	dma.local @!p0 [hbm:s0], s1  }
0x3e: {  	s0 =	simm.s32 @!p0 $0x2  }
0x3f: {  	_ =	swait.ge @!p0 [sflag:s0], s1  }
0x40: {  	s1 =	ssub.s32 @!p0 $0x0, s1;
	[sflag:s0] =	ssyncset.done @!p0 $0x0  }
0x41: {  	[sflag:s0] =	ssyncadd.s32 @!p0 s1  }
0x42: {  	[bflag:$0x3] =	sbarrier.arrive $0xFFFF  }
0x43: {  	_ =	shalt  }

</sc_bundles>
